<compile_context>
chip_gen: v7x
topology: tpu7x:2x2x1
jax: 0.10.2.dev20260603
libtpu: 0.0.44.dev20260713+nightly
codegen_flags: <defaults>
</compile_context>

<pallas_src>
import functools

import jax
import jax.numpy as jnp
from jax import lax
from jax.experimental import pallas as pl
from jax.experimental.pallas import tpu as pltpu
from jax.experimental.pallas import tpu_sc as plsc

NC = 2
NS = 16
L = 16
NW = NC * NS


def _build(B, N, R, nc=NC):
    nw = nc * NS
    WPB = nw // B
    ROWS = N // WPB
    NJ = N // L

    mesh = plsc.VectorSubcoreMesh(
        core_axis_name="c", subcore_axis_name="s",
        num_cores=nc, num_subcores=NS)

    @functools.partial(
        pl.kernel,
        out_type=jax.ShapeDtypeStruct((nw, L), jnp.float32),
        mesh=mesh,
        compiler_params=pltpu.CompilerParams(needs_layout_passes=False),
        scratch_types=[
            pltpu.VMEM((3, N), jnp.float32),
            pltpu.VMEM((3, N), jnp.float32),
            pltpu.VMEM((N,), jnp.float32),
            pltpu.VMEM((N,), jnp.float32),
            pltpu.VMEM((L,), jnp.float32),
            pltpu.VMEM((L * L,), jnp.float32),
        ],
    )
    def chamfer(pred_hbm, gt_hbm, out_hbm, p_v, g_v, pn_v, gn_v, acc_v,
                tr_v):
        cid = lax.axis_index("c")
        sid = lax.axis_index("s")
        wid = cid * NS + sid
        b = wid // WPB
        r0 = (wid % WPB) * ROWS

        pltpu.sync_copy(pred_hbm.at[b], p_v)
        pltpu.sync_copy(gt_hbm.at[b], g_v)

        def norms(j, _):
            sl = pl.ds(j * L, L)
            px, py, pz = p_v[0, sl], p_v[1, sl], p_v[2, sl]
            pn_v[sl] = px * px + py * py + pz * pz
            gx, gy, gz = g_v[0, sl], g_v[1, sl], g_v[2, sl]
            gn_v[sl] = gx * gx + gy * gy + gz * gz
            return 0
        lax.fori_loop(0, NJ, norms, 0, unroll=False)

        def direction(src_v, srcn_v, tgt_v, tgtn_v, acc):
            lanes = jnp.arange(L, dtype=jnp.int32)

            def outer(i, acc):
                n0 = r0 + i * L
                sl0 = pl.ds(n0, L)
                rxv = -2.0 * src_v[0, sl0]
                ryv = -2.0 * src_v[1, sl0]
                rzv = -2.0 * src_v[2, sl0]
                snv = srcn_v[sl0]
                all_rmins = []
                for g in range(L // R):
                    sx = [rxv[g * R + r] for r in range(R)]
                    sy = [ryv[g * R + r] for r in range(R)]
                    sz = [rzv[g * R + r] for r in range(R)]

                    def inner(j, rmins):
                        sl = pl.ds(j * L, L)
                        tx, ty, tz = tgt_v[0, sl], tgt_v[1, sl], tgt_v[2, sl]
                        tn = tgtn_v[sl]
                        return tuple(
                            jnp.minimum(
                                rmins[r],
                                tn + sx[r] * tx + sy[r] * ty + sz[r] * tz)
                            for r in range(R))

                    init = tuple(jnp.full((L,), jnp.inf, jnp.float32)
                                 for _ in range(R))
                    all_rmins.extend(
                        lax.fori_loop(0, NJ, inner, init, unroll=False))
                for r in range(L):
                    plsc.store_scatter(tr_v, [lanes * L + r], all_rmins[r])
                rowmin = tr_v[pl.ds(0, L)]
                for l in range(1, L):
                    rowmin = jnp.minimum(rowmin, tr_v[pl.ds(l * L, L)])
                return acc + jnp.maximum(snv + rowmin, 0.0)
            return lax.fori_loop(0, ROWS // L, outer, acc, unroll=False)

        acc = jnp.zeros((L,), jnp.float32)
        acc = direction(p_v, pn_v, g_v, gn_v, acc)
        acc = direction(g_v, gn_v, p_v, pn_v, acc)
        acc_v[...] = acc
        pltpu.sync_copy(acc_v, out_hbm.at[wid])

    return chamfer


def _build_tc(B, N, BN):
    NBLK = N // BN

    def body(p_ref, g_ref, out_ref):
        b = pl.program_id(0)
        pblk = p_ref[0]
        gblk = g_ref[0]
        pn = jnp.sum(pblk * pblk, axis=1, keepdims=True)
        gx, gy, gz = gblk[0:1, :], gblk[1:2, :], gblk[2:3, :]
        gn = 0.25 * (gx * gx + gy * gy + gz * gz)
        g16 = gblk.astype(jnp.bfloat16)
        colmin = jnp.full((1, N), jnp.inf, jnp.float32)
        for i in range(NBLK):
            lo, hi = i * BN, (i + 1) * BN
            cprime = jnp.dot(pblk[lo:hi, :].astype(jnp.bfloat16), g16,
                             preferred_element_type=jnp.float32)
            d2 = (pn[lo:hi, :] + gn) + cprime
            xs = jnp.min(d2, axis=1, keepdims=True)
            out_x = jnp.sum(jnp.maximum(xs, 0.0))
            prev = jnp.where(i == 0, 0.0, out_ref[b, 0])
            out_ref[b, 0] = prev + out_x
            colmin = jnp.minimum(colmin, jnp.min(d2, axis=0, keepdims=True))
        out_ref[b, 1] = jnp.sum(jnp.maximum(colmin, 0.0))

    return pl.pallas_call(
        body,
        grid=(B,),
        in_specs=[
            pl.BlockSpec((1, N, 3), lambda b: (b, 0, 0)),
            pl.BlockSpec((1, 3, N), lambda b: (b, 0, 0)),
        ],
        out_specs=pl.BlockSpec((B, 2), lambda b: (0, 0),
                               memory_space=pltpu.SMEM),
        out_shape=jax.ShapeDtypeStruct((B, 2), jnp.float32),
    )


_N = 2048
_B_SC = 1
_SC_CORES = 1
_B_TC = 8 - _B_SC
_chamfer_sc = _build(_B_SC, _N, 8, nc=_SC_CORES) if _B_SC else None
_chamfer_tc = _build_tc(_B_TC, _N, 512)


def kernel(pred_points, gt_points):
    B, N, _ = pred_points.shape
    pred = pred_points.astype(jnp.float32)
    gt = gt_points.astype(jnp.float32)

    g2T = jnp.swapaxes(-2.0 * gt[:_B_TC], 1, 2)
    tc_parts = _chamfer_tc(pred[:_B_TC], g2T)
    total = jnp.sum(tc_parts)

    if _B_SC:
        pred_t = jnp.swapaxes(pred[_B_TC:], 1, 2)
        gt_t = jnp.swapaxes(gt[_B_TC:], 1, 2)
        sc_parts = _chamfer_sc(pred_t, gt_t)
        total = total + jnp.sum(sc_parts)

    return total / (B * N)

# --- scband reference (transcript-rebuilt; emitter-appended) ---
"""Pipeline reference for scband-chamfer-loss-11630771438180 (READ-ONLY COPY).

The authoritative reference and input builder live on the scoring server;
editing this copy changes nothing except your own understanding.
"""

import jax, jax.numpy as jnp
import numpy as np

def setup_inputs(seed: int = 0) -> dict:
    key = jax.random.key(seed)
    k1, k2 = jax.random.split(key)
    pred_points = jax.random.normal(k1, (8, 2048, 3), dtype=jnp.float32)
    gt_points = jax.random.normal(k2, (8, 2048, 3), dtype=jnp.float32)
    return {"pred_points": pred_points, "gt_points": gt_points}

def reference(pred_points, gt_points):
    # Faithful port of pytorch3d chamfer_distance with norm=2 (squared L2),
    # point_reduction='mean', batch_reduction='mean'.
    pred = pred_points.astype(jnp.float32)
    gt = gt_points.astype(jnp.float32)
    # pairwise squared distances: [B, N, M]
    pn = jnp.sum(pred * pred, axis=-1)  # [B, N]
    gn = jnp.sum(gt * gt, axis=-1)      # [B, M]
    cross = jnp.einsum('bnd,bmd->bnm', pred, gt)  # [B, N, M]
    d2 = pn[:, :, None] + gn[:, None, :] - 2.0 * cross
    d2 = jnp.maximum(d2, 0.0)
    # nearest-neighbor squared distances each direction
    cham_x = jnp.min(d2, axis=2)  # pred -> gt, [B, N]
    cham_y = jnp.min(d2, axis=1)  # gt -> pred, [B, M]
    # point_reduction='mean'
    cham_x = jnp.mean(cham_x, axis=1)  # [B]
    cham_y = jnp.mean(cham_y, axis=1)  # [B]
    # batch_reduction='mean'
    loss = jnp.mean(cham_x) + jnp.mean(cham_y)
    return loss

if __name__ == "__main__":
    import jax
    _d = setup_inputs()
    print(jax.jit(kernel)(*tuple(_d.values())))

</pallas_src>

<mosaic_0001>
#map = affine_map<(d0, d1) -> (0, 0, 0)>
#map1 = affine_map<(d0, d1) -> (0, 0)>
module attributes {stable_mosaic.version = 14 : i64} {
  func.func @chamfer(%arg0: i32, %arg1: i32, %arg2: memref<1x3x2048xf32, #tpu.memory_space<hbm>>, %arg3: memref<1x3x2048xf32, #tpu.memory_space<hbm>>, %arg4: memref<16x16xf32, #tpu.memory_space<hbm>>, %arg5: memref<3x2048xf32, #tpu.memory_space<vmem>>, %arg6: memref<3x2048xf32, #tpu.memory_space<vmem>>, %arg7: memref<2048xf32, #tpu.memory_space<vmem>>, %arg8: memref<2048xf32, #tpu.memory_space<vmem>>, %arg9: memref<16xf32, #tpu.memory_space<vmem>>, %arg10: memref<256xf32, #tpu.memory_space<vmem>>) attributes {dimension_semantics = [#tpu.dimension_semantics<core_parallel>, #tpu.dimension_semantics<subcore_parallel>], iteration_bounds = array<i64: 1, 16>, scalar_prefetch = 0 : i64, scratch_operands = 6 : i64, tpu.core_type = #tpu.core_type<sc_vector_subcore>, window_params = [{transform_indices = #map}, {transform_indices = #map}, {transform_indices = #map1}]} {
    %mul3A = arith.constant 16 : i32
    %mul3A_0 = arith.muli %arg0, %mul3A : i32
    %add3A = arith.addi %mul3A_0, %arg1 : i32
    %jit3A = arith.constant 16 : i32
    %div3A = arith.divsi %add3A, %jit3A : i32
    %sign3A = arith.constant 0 : i32
    %sign3A_1 = arith.cmpi sgt, %add3A, %sign3A : i32
    %sign3A_2 = arith.extui %sign3A_1 : i1 to i32
    %sign3A_3 = arith.constant 0 : i32
    %sign3A_4 = arith.cmpi slt, %add3A, %sign3A_3 : i32
    %sign3A_5 = arith.extui %sign3A_4 : i1 to i32
    %sign3A_6 = arith.subi %sign3A_2, %sign3A_5 : i32
    %sign3A_7 = arith.constant 0 : i32
    %sign3A_8 = arith.cmpi sgt, %jit3A, %sign3A_7 : i32
    %sign3A_9 = arith.extui %sign3A_8 : i1 to i32
    %sign3A_10 = arith.constant 0 : i32
    %sign3A_11 = arith.cmpi slt, %jit3A, %sign3A_10 : i32
    %sign3A_12 = arith.extui %sign3A_11 : i1 to i32
    %sign3A_13 = arith.subi %sign3A_9, %sign3A_12 : i32
    %ne3A = arith.cmpi ne, %sign3A_6, %sign3A_13 : i32
    %rem3A = arith.remsi %add3A, %jit3A : i32
    %ne3A_14 = arith.constant 0 : i32
    %ne3A_15 = arith.cmpi ne, %rem3A, %ne3A_14 : i32
    %and3A = arith.andi %ne3A, %ne3A_15 : i1
    %sub3A = arith.constant 1 : i32
    %sub3A_16 = arith.subi %div3A, %sub3A : i32
    %select_n3A = arith.select %and3A, %sub3A_16, %div3A : i32
    %jit3A_17 = arith.constant 16 : i32
    %eq3A = arith.constant 0 : i32
    %eq3A_18 = arith.cmpi eq, %jit3A_17, %eq3A : i32
    %jit3A_19 = arith.constant 1 : i32
    %select_n3A_20 = arith.select %eq3A_18, %jit3A_19, %jit3A_17 : i32
    %rem3A_21 = arith.remsi %add3A, %select_n3A_20 : i32
    %ne3A_22 = arith.constant 0 : i32
    %ne3A_23 = arith.cmpi ne, %rem3A_21, %ne3A_22 : i32
    %lt3A = arith.constant 0 : i32
    %lt3A_24 = arith.cmpi slt, %rem3A_21, %lt3A : i32
    %lt3A_25 = arith.constant 0 : i32
    %lt3A_26 = arith.cmpi slt, %select_n3A_20, %lt3A_25 : i32
    %ne3A_27 = arith.xori %lt3A_24, %lt3A_26 : i1
    %and3A_28 = arith.andi %ne3A_27, %ne3A_23 : i1
    %add3A_29 = arith.addi %rem3A_21, %select_n3A_20 : i32
    %select_n3A_30 = arith.select %and3A_28, %add3A_29, %rem3A_21 : i32
    %mul3A_31 = arith.constant 128 : i32
    %mul3A_32 = arith.muli %select_n3A_30, %mul3A_31 : i32
    "tpu.region"() ({
      %run_scoped3A = tpu.sem_alloc : memref<!tpu.dma_semaphore, #tpu.memory_space<semaphore_mem>>
      %dma_start3A = arith.constant 0 : i32
      %dma_start3A_54 = arith.constant 0 : i32
      %dma_start3A_55 = tpu.memref_slice %arg2[%select_n3A, %dma_start3A, %dma_start3A_54] : memref<1x3x2048xf32, #tpu.memory_space<hbm>> -> memref<1x3x2048xf32, #tpu.memory_space<hbm>>
      %dma_start3A_56 = tpu.memref_squeeze %dma_start3A_55 : memref<1x3x2048xf32, #tpu.memory_space<hbm>> -> memref<3x2048xf32, #tpu.memory_space<hbm>>
      %dma_start3A_57 = arith.constant 0 : i32
      %dma_start3A_58 = arith.constant 0 : i32
      %dma_start3A_59 = tpu.memref_slice %arg2[%select_n3A, %dma_start3A_57, %dma_start3A_58] : memref<1x3x2048xf32, #tpu.memory_space<hbm>> -> memref<1x3x2048xf32, #tpu.memory_space<hbm>>
      %dma_start3A_60 = tpu.memref_squeeze %dma_start3A_59 : memref<1x3x2048xf32, #tpu.memory_space<hbm>> -> memref<3x2048xf32, #tpu.memory_space<hbm>>
      tpu.enqueue_dma source(%dma_start3A_60 : memref<3x2048xf32, #tpu.memory_space<hbm>>) target(%arg5 : memref<3x2048xf32, #tpu.memory_space<vmem>>) target_semaphore(%run_scoped3A : memref<!tpu.dma_semaphore, #tpu.memory_space<semaphore_mem>>)
      %dma_wait3A = arith.constant 0 : i32
      %dma_wait3A_61 = arith.constant 0 : i32
      %dma_wait3A_62 = tpu.memref_slice %arg2[%select_n3A, %dma_wait3A, %dma_wait3A_61] : memref<1x3x2048xf32, #tpu.memory_space<hbm>> -> memref<1x3x2048xf32, #tpu.memory_space<hbm>>
      %dma_wait3A_63 = tpu.memref_squeeze %dma_wait3A_62 : memref<1x3x2048xf32, #tpu.memory_space<hbm>> -> memref<3x2048xf32, #tpu.memory_space<hbm>>
      %dma_wait3A_64 = arith.constant 0 : i32
      %dma_wait3A_65 = arith.constant 0 : i32
      %dma_wait3A_66 = tpu.memref_slice %arg2[%select_n3A, %dma_wait3A_64, %dma_wait3A_65] : memref<1x3x2048xf32, #tpu.memory_space<hbm>> -> memref<1x3x2048xf32, #tpu.memory_space<hbm>>
      %dma_wait3A_67 = tpu.memref_squeeze %dma_wait3A_66 : memref<1x3x2048xf32, #tpu.memory_space<hbm>> -> memref<3x2048xf32, #tpu.memory_space<hbm>>
      tpu.wait_dma2 semaphore(%run_scoped3A : memref<!tpu.dma_semaphore, #tpu.memory_space<semaphore_mem>>) src(%dma_wait3A_67 : memref<3x2048xf32, #tpu.memory_space<hbm>>) dst(%arg5 : memref<3x2048xf32, #tpu.memory_space<vmem>>)
      tpu.yield
    }) : () -> ()
    "tpu.region"() ({
      %run_scoped3A = tpu.sem_alloc : memref<!tpu.dma_semaphore, #tpu.memory_space<semaphore_mem>>
      %dma_start3A = arith.constant 0 : i32
      %dma_start3A_54 = arith.constant 0 : i32
      %dma_start3A_55 = tpu.memref_slice %arg3[%select_n3A, %dma_start3A, %dma_start3A_54] : memref<1x3x2048xf32, #tpu.memory_space<hbm>> -> memref<1x3x2048xf32, #tpu.memory_space<hbm>>
      %dma_start3A_56 = tpu.memref_squeeze %dma_start3A_55 : memref<1x3x2048xf32, #tpu.memory_space<hbm>> -> memref<3x2048xf32, #tpu.memory_space<hbm>>
      %dma_start3A_57 = arith.constant 0 : i32
      %dma_start3A_58 = arith.constant 0 : i32
      %dma_start3A_59 = tpu.memref_slice %arg3[%select_n3A, %dma_start3A_57, %dma_start3A_58] : memref<1x3x2048xf32, #tpu.memory_space<hbm>> -> memref<1x3x2048xf32, #tpu.memory_space<hbm>>
      %dma_start3A_60 = tpu.memref_squeeze %dma_start3A_59 : memref<1x3x2048xf32, #tpu.memory_space<hbm>> -> memref<3x2048xf32, #tpu.memory_space<hbm>>
      tpu.enqueue_dma source(%dma_start3A_60 : memref<3x2048xf32, #tpu.memory_space<hbm>>) target(%arg6 : memref<3x2048xf32, #tpu.memory_space<vmem>>) target_semaphore(%run_scoped3A : memref<!tpu.dma_semaphore, #tpu.memory_space<semaphore_mem>>)
      %dma_wait3A = arith.constant 0 : i32
      %dma_wait3A_61 = arith.constant 0 : i32
      %dma_wait3A_62 = tpu.memref_slice %arg3[%select_n3A, %dma_wait3A, %dma_wait3A_61] : memref<1x3x2048xf32, #tpu.memory_space<hbm>> -> memref<1x3x2048xf32, #tpu.memory_space<hbm>>
      %dma_wait3A_63 = tpu.memref_squeeze %dma_wait3A_62 : memref<1x3x2048xf32, #tpu.memory_space<hbm>> -> memref<3x2048xf32, #tpu.memory_space<hbm>>
      %dma_wait3A_64 = arith.constant 0 : i32
      %dma_wait3A_65 = arith.constant 0 : i32
      %dma_wait3A_66 = tpu.memref_slice %arg3[%select_n3A, %dma_wait3A_64, %dma_wait3A_65] : memref<1x3x2048xf32, #tpu.memory_space<hbm>> -> memref<1x3x2048xf32, #tpu.memory_space<hbm>>
      %dma_wait3A_67 = tpu.memref_squeeze %dma_wait3A_66 : memref<1x3x2048xf32, #tpu.memory_space<hbm>> -> memref<3x2048xf32, #tpu.memory_space<hbm>>
      tpu.wait_dma2 semaphore(%run_scoped3A : memref<!tpu.dma_semaphore, #tpu.memory_space<semaphore_mem>>) src(%dma_wait3A_67 : memref<3x2048xf32, #tpu.memory_space<hbm>>) dst(%arg6 : memref<3x2048xf32, #tpu.memory_space<vmem>>)
      tpu.yield
    }) : () -> ()
    %scan3A = arith.constant 0 : i32
    %scan3A_33 = arith.constant 0 : i32
    %scan3A_34 = arith.constant 128 : i32
    %scan3A_35 = arith.addi %scan3A_33, %scan3A_34 : i32
    %scan3A_36 = arith.constant 1 : i32
    %scan3A_37 = scf.for %scan3A_54 = %scan3A_33 to %scan3A_35 step %scan3A_36 iter_args(%scan3A_55 = %scan3A) -> (i32)  : i32 {
      %mul3A_56 = arith.constant 16 : i32
      %mul3A_57 = arith.muli %scan3A_54, %mul3A_56 : i32
      %get3A = arith.constant 0 : i32
      %get3A_58 = arith.index_cast %get3A : i32 to index
      %get3A_59 = arith.index_cast %mul3A_57 : i32 to index
      %get3A_60 = tpu.vector_load %arg5[%get3A_58, %get3A_59] {strides = array<i32>} : memref<3x2048xf32, #tpu.memory_space<vmem>>, vector<16xf32>,
      %get3A_61 = arith.constant 1 : i32
      %get3A_62 = arith.index_cast %get3A_61 : i32 to index
      %get3A_63 = arith.index_cast %mul3A_57 : i32 to index
      %get3A_64 = tpu.vector_load %arg5[%get3A_62, %get3A_63] {strides = array<i32>} : memref<3x2048xf32, #tpu.memory_space<vmem>>, vector<16xf32>,
      %get3A_65 = arith.constant 2 : i32
      %get3A_66 = arith.index_cast %get3A_65 : i32 to index
      %get3A_67 = arith.index_cast %mul3A_57 : i32 to index
      %get3A_68 = tpu.vector_load %arg5[%get3A_66, %get3A_67] {strides = array<i32>} : memref<3x2048xf32, #tpu.memory_space<vmem>>, vector<16xf32>,
      %mul3A_69 = arith.mulf %get3A_60, %get3A_60 : vector<16xf32>
      %mul3A_70 = arith.mulf %get3A_64, %get3A_64 : vector<16xf32>
      %add3A_71 = arith.addf %mul3A_69, %mul3A_70 : vector<16xf32>
      %mul3A_72 = arith.mulf %get3A_68, %get3A_68 : vector<16xf32>
      %add3A_73 = arith.addf %add3A_71, %mul3A_72 : vector<16xf32>
      %swap3A_74 = arith.index_cast %mul3A_57 : i32 to index
      %swap3A_75 = tpu.vector_load %arg7[%swap3A_74] {strides = array<i32>} : memref<2048xf32, #tpu.memory_space<vmem>>, vector<16xf32>,
      tpu.vector_store %arg7[%swap3A_74], %add3A_73 {strides = array<i32>} : memref<2048xf32, #tpu.memory_space<vmem>>, vector<16xf32>,
      %get3A_76 = arith.constant 0 : i32
      %get3A_77 = arith.index_cast %get3A_76 : i32 to index
      %get3A_78 = arith.index_cast %mul3A_57 : i32 to index
      %get3A_79 = tpu.vector_load %arg6[%get3A_77, %get3A_78] {strides = array<i32>} : memref<3x2048xf32, #tpu.memory_space<vmem>>, vector<16xf32>,
      %get3A_80 = arith.constant 1 : i32
      %get3A_81 = arith.index_cast %get3A_80 : i32 to index
      %get3A_82 = arith.index_cast %mul3A_57 : i32 to index
      %get3A_83 = tpu.vector_load %arg6[%get3A_81, %get3A_82] {strides = array<i32>} : memref<3x2048xf32, #tpu.memory_space<vmem>>, vector<16xf32>,
      %get3A_84 = arith.constant 2 : i32
      %get3A_85 = arith.index_cast %get3A_84 : i32 to index
      %get3A_86 = arith.index_cast %mul3A_57 : i32 to index
      %get3A_87 = tpu.vector_load %arg6[%get3A_85, %get3A_86] {strides = array<i32>} : memref<3x2048xf32, #tpu.memory_space<vmem>>, vector<16xf32>,
      %mul3A_88 = arith.mulf %get3A_79, %get3A_79 : vector<16xf32>
      %mul3A_89 = arith.mulf %get3A_83, %get3A_83 : vector<16xf32>
      %add3A_90 = arith.addf %mul3A_88, %mul3A_89 : vector<16xf32>
      %mul3A_91 = arith.mulf %get3A_87, %get3A_87 : vector<16xf32>
      %add3A_92 = arith.addf %add3A_90, %mul3A_91 : vector<16xf32>
      %swap3A_93 = arith.index_cast %mul3A_57 : i32 to index
      %swap3A_94 = tpu.vector_load %arg8[%swap3A_93] {strides = array<i32>} : memref<2048xf32, #tpu.memory_space<vmem>>, vector<16xf32>,
      tpu.vector_store %arg8[%swap3A_93], %add3A_92 {strides = array<i32>} : memref<2048xf32, #tpu.memory_space<vmem>>, vector<16xf32>,
      %scan3A_95 = arith.constant 0 : i32
      scf.yield %scan3A_95 : i32
    }
    %scan3A_38 = arith.constant 128 : i32
    %broadcast_in_dim3A = arith.constant 0.000000e+00 : f32
    %broadcast_in_dim3A_39 = vector.broadcast %broadcast_in_dim3A : f32 to vector<16xf32>
    %iota3A = tpu.iota {dimensions = array<i32: 0>} : vector<16xi32>
    %scan3A_40 = arith.constant 0 : i32
    %scan3A_41 = arith.constant 8 : i32
    %scan3A_42 = arith.addi %scan3A_40, %scan3A_41 : i32
    %scan3A_43 = arith.constant 1 : i32
    %scan3A_44 = scf.for %scan3A_54 = %scan3A_40 to %scan3A_42 step %scan3A_43 iter_args(%scan3A_55 = %broadcast_in_dim3A_39) -> (vector<16xf32>)  : i32 {
      %mul3A_56 = arith.constant 16 : i32
      %mul3A_57 = arith.muli %scan3A_54, %mul3A_56 : i32
      %add3A_58 = arith.addi %mul3A_32, %mul3A_57 : i32
      %get3A = arith.constant 0 : i32
      %get3A_59 = arith.index_cast %get3A : i32 to index
      %get3A_60 = arith.index_cast %add3A_58 : i32 to index
      %get3A_61 = tpu.vector_load %arg5[%get3A_59, %get3A_60] {strides = array<i32>} : memref<3x2048xf32, #tpu.memory_space<vmem>>, vector<16xf32>,
      %mul3A_62 = arith.constant -2.000000e+00 : f32
      %mul3A_63 = vector.broadcast %mul3A_62 : f32 to vector<16xf32>
      %mul3A_64 = arith.mulf %mul3A_63, %get3A_61 : vector<16xf32>
      %get3A_65 = arith.constant 1 : i32
      %get3A_66 = arith.index_cast %get3A_65 : i32 to index
      %get3A_67 = arith.index_cast %add3A_58 : i32 to index
      %get3A_68 = tpu.vector_load %arg5[%get3A_66, %get3A_67] {strides = array<i32>} : memref<3x2048xf32, #tpu.memory_space<vmem>>, vector<16xf32>,
      %mul3A_69 = arith.constant -2.000000e+00 : f32
      %mul3A_70 = vector.broadcast %mul3A_69 : f32 to vector<16xf32>
      %mul3A_71 = arith.mulf %mul3A_70, %get3A_68 : vector<16xf32>
      %get3A_72 = arith.constant 2 : i32
      %get3A_73 = arith.index_cast %get3A_72 : i32 to index
      %get3A_74 = arith.index_cast %add3A_58 : i32 to index
      %get3A_75 = tpu.vector_load %arg5[%get3A_73, %get3A_74] {strides = array<i32>} : memref<3x2048xf32, #tpu.memory_space<vmem>>, vector<16xf32>,
      %mul3A_76 = arith.constant -2.000000e+00 : f32
      %mul3A_77 = vector.broadcast %mul3A_76 : f32 to vector<16xf32>
      %mul3A_78 = arith.mulf %mul3A_77, %get3A_75 : vector<16xf32>
      %get3A_79 = arith.index_cast %add3A_58 : i32 to index
      %get3A_80 = tpu.vector_load %arg7[%get3A_79] {strides = array<i32>} : memref<2048xf32, #tpu.memory_space<vmem>>, vector<16xf32>,
      %slice3A = vector.extract_strided_slice %mul3A_64 {offsets = [0], sizes = [1], strides = [1]} : vector<16xf32> to vector<1xf32>
      %squeeze3A = vector.extract %slice3A[0] : f32 from vector<1xf32>
      %slice3A_81 = vector.extract_strided_slice %mul3A_64 {offsets = [1], sizes = [1], strides = [1]} : vector<16xf32> to vector<1xf32>
      %squeeze3A_82 = vector.extract %slice3A_81[0] : f32 from vector<1xf32>
      %slice3A_83 = vector.extract_strided_slice %mul3A_64 {offsets = [2], sizes = [1], strides = [1]} : vector<16xf32> to vector<1xf32>
      %squeeze3A_84 = vector.extract %slice3A_83[0] : f32 from vector<1xf32>
      %slice3A_85 = vector.extract_strided_slice %mul3A_64 {offsets = [3], sizes = [1], strides = [1]} : vector<16xf32> to vector<1xf32>
      %squeeze3A_86 = vector.extract %slice3A_85[0] : f32 from vector<1xf32>
      %slice3A_87 = vector.extract_strided_slice %mul3A_64 {offsets = [4], sizes = [1], strides = [1]} : vector<16xf32> to vector<1xf32>
      %squeeze3A_88 = vector.extract %slice3A_87[0] : f32 from vector<1xf32>
      %slice3A_89 = vector.extract_strided_slice %mul3A_64 {offsets = [5], sizes = [1], strides = [1]} : vector<16xf32> to vector<1xf32>
      %squeeze3A_90 = vector.extract %slice3A_89[0] : f32 from vector<1xf32>
      %slice3A_91 = vector.extract_strided_slice %mul3A_64 {offsets = [6], sizes = [1], strides = [1]} : vector<16xf32> to vector<1xf32>
      %squeeze3A_92 = vector.extract %slice3A_91[0] : f32 from vector<1xf32>
      %slice3A_93 = vector.extract_strided_slice %mul3A_64 {offsets = [7], sizes = [1], strides = [1]} : vector<16xf32> to vector<1xf32>
      %squeeze3A_94 = vector.extract %slice3A_93[0] : f32 from vector<1xf32>
      %slice3A_95 = vector.extract_strided_slice %mul3A_71 {offsets = [0], sizes = [1], strides = [1]} : vector<16xf32> to vector<1xf32>
      %squeeze3A_96 = vector.extract %slice3A_95[0] : f32 from vector<1xf32>
      %slice3A_97 = vector.extract_strided_slice %mul3A_71 {offsets = [1], sizes = [1], strides = [1]} : vector<16xf32> to vector<1xf32>
      %squeeze3A_98 = vector.extract %slice3A_97[0] : f32 from vector<1xf32>
      %slice3A_99 = vector.extract_strided_slice %mul3A_71 {offsets = [2], sizes = [1], strides = [1]} : vector<16xf32> to vector<1xf32>
      %squeeze3A_100 = vector.extract %slice3A_99[0] : f32 from vector<1xf32>
      %slice3A_101 = vector.extract_strided_slice %mul3A_71 {offsets = [3], sizes = [1], strides = [1]} : vector<16xf32> to vector<1xf32>
      %squeeze3A_102 = vector.extract %slice3A_101[0] : f32 from vector<1xf32>
      %slice3A_103 = vector.extract_strided_slice %mul3A_71 {offsets = [4], sizes = [1], strides = [1]} : vector<16xf32> to vector<1xf32>
      %squeeze3A_104 = vector.extract %slice3A_103[0] : f32 from vector<1xf32>
      %slice3A_105 = vector.extract_strided_slice %mul3A_71 {offsets = [5], sizes = [1], strides = [1]} : vector<16xf32> to vector<1xf32>
      %squeeze3A_106 = vector.extract %slice3A_105[0] : f32 from vector<1xf32>
      %slice3A_107 = vector.extract_strided_slice %mul3A_71 {offsets = [6], sizes = [1], strides = [1]} : vector<16xf32> to vector<1xf32>
      %squeeze3A_108 = vector.extract %slice3A_107[0] : f32 from vector<1xf32>
      %slice3A_109 = vector.extract_strided_slice %mul3A_71 {offsets = [7], sizes = [1], strides = [1]} : vector<16xf32> to vector<1xf32>
      %squeeze3A_110 = vector.extract %slice3A_109[0] : f32 from vector<1xf32>
      %slice3A_111 = vector.extract_strided_slice %mul3A_78 {offsets = [0], sizes = [1], strides = [1]} : vector<16xf32> to vector<1xf32>
      %squeeze3A_112 = vector.extract %slice3A_111[0] : f32 from vector<1xf32>
      %slice3A_113 = vector.extract_strided_slice %mul3A_78 {offsets = [1], sizes = [1], strides = [1]} : vector<16xf32> to vector<1xf32>
      %squeeze3A_114 = vector.extract %slice3A_113[0] : f32 from vector<1xf32>
      %slice3A_115 = vector.extract_strided_slice %mul3A_78 {offsets = [2], sizes = [1], strides = [1]} : vector<16xf32> to vector<1xf32>
      %squeeze3A_116 = vector.extract %slice3A_115[0] : f32 from vector<1xf32>
      %slice3A_117 = vector.extract_strided_slice %mul3A_78 {offsets = [3], sizes = [1], strides = [1]} : vector<16xf32> to vector<1xf32>
      %squeeze3A_118 = vector.extract %slice3A_117[0] : f32 from vector<1xf32>
      %slice3A_119 = vector.extract_strided_slice %mul3A_78 {offsets = [4], sizes = [1], strides = [1]} : vector<16xf32> to vector<1xf32>
      %squeeze3A_120 = vector.extract %slice3A_119[0] : f32 from vector<1xf32>
      %slice3A_121 = vector.extract_strided_slice %mul3A_78 {offsets = [5], sizes = [1], strides = [1]} : vector<16xf32> to vector<1xf32>
      %squeeze3A_122 = vector.extract %slice3A_121[0] : f32 from vector<1xf32>
      %slice3A_123 = vector.extract_strided_slice %mul3A_78 {offsets = [6], sizes = [1], strides = [1]} : vector<16xf32> to vector<1xf32>
      %squeeze3A_124 = vector.extract %slice3A_123[0] : f32 from vector<1xf32>
      %slice3A_125 = vector.extract_strided_slice %mul3A_78 {offsets = [7], sizes = [1], strides = [1]} : vector<16xf32> to vector<1xf32>
      %squeeze3A_126 = vector.extract %slice3A_125[0] : f32 from vector<1xf32>
      %broadcast_in_dim3A_127 = arith.constant 0x7F800000 : f32
      %broadcast_in_dim3A_128 = vector.broadcast %broadcast_in_dim3A_127 : f32 to vector<16xf32>
      %broadcast_in_dim3A_129 = arith.constant 0x7F800000 : f32
      %broadcast_in_dim3A_130 = vector.broadcast %broadcast_in_dim3A_129 : f32 to vector<16xf32>
      %broadcast_in_dim3A_131 = arith.constant 0x7F800000 : f32
      %broadcast_in_dim3A_132 = vector.broadcast %broadcast_in_dim3A_131 : f32 to vector<16xf32>
      %broadcast_in_dim3A_133 = arith.constant 0x7F800000 : f32
      %broadcast_in_dim3A_134 = vector.broadcast %broadcast_in_dim3A_133 : f32 to vector<16xf32>
      %broadcast_in_dim3A_135 = arith.constant 0x7F800000 : f32
      %broadcast_in_dim3A_136 = vector.broadcast %broadcast_in_dim3A_135 : f32 to vector<16xf32>
      %broadcast_in_dim3A_137 = arith.constant 0x7F800000 : f32
      %broadcast_in_dim3A_138 = vector.broadcast %broadcast_in_dim3A_137 : f32 to vector<16xf32>
      %broadcast_in_dim3A_139 = arith.constant 0x7F800000 : f32
      %broadcast_in_dim3A_140 = vector.broadcast %broadcast_in_dim3A_139 : f32 to vector<16xf32>
      %broadcast_in_dim3A_141 = arith.constant 0x7F800000 : f32
      %broadcast_in_dim3A_142 = vector.broadcast %broadcast_in_dim3A_141 : f32 to vector<16xf32>
      %scan3A_143 = arith.constant 0 : i32
      %scan3A_144 = arith.constant 128 : i32
      %scan3A_145 = arith.addi %scan3A_143, %scan3A_144 : i32
      %scan3A_146 = arith.constant 1 : i32
      %scan3A_147:8 = scf.for %scan3A_365 = %scan3A_143 to %scan3A_145 step %scan3A_146 iter_args(%scan3A_366 = %broadcast_in_dim3A_128, %scan3A_367 = %broadcast_in_dim3A_130, %scan3A_368 = %broadcast_in_dim3A_132, %scan3A_369 = %broadcast_in_dim3A_134, %scan3A_370 = %broadcast_in_dim3A_136, %scan3A_371 = %broadcast_in_dim3A_138, %scan3A_372 = %broadcast_in_dim3A_140, %scan3A_373 = %broadcast_in_dim3A_142) -> (vector<16xf32>, vector<16xf32>, vector<16xf32>, vector<16xf32>, vector<16xf32>, vector<16xf32>, vector<16xf32>, vector<16xf32>)  : i32 {
        %mul3A_374 = arith.constant 16 : i32
        %mul3A_375 = arith.muli %scan3A_365, %mul3A_374 : i32
        %get3A_376 = arith.constant 0 : i32
        %get3A_377 = arith.index_cast %get3A_376 : i32 to index
        %get3A_378 = arith.index_cast %mul3A_375 : i32 to index
        %get3A_379 = tpu.vector_load %arg6[%get3A_377, %get3A_378] {strides = array<i32>} : memref<3x2048xf32, #tpu.memory_space<vmem>>, vector<16xf32>,
        %get3A_380 = arith.constant 1 : i32
        %get3A_381 = arith.index_cast %get3A_380 : i32 to index
        %get3A_382 = arith.index_cast %mul3A_375 : i32 to index
        %get3A_383 = tpu.vector_load %arg6[%get3A_381, %get3A_382] {strides = array<i32>} : memref<3x2048xf32, #tpu.memory_space<vmem>>, vector<16xf32>,
        %get3A_384 = arith.constant 2 : i32
        %get3A_385 = arith.index_cast %get3A_384 : i32 to index
        %get3A_386 = arith.index_cast %mul3A_375 : i32 to index
        %get3A_387 = tpu.vector_load %arg6[%get3A_385, %get3A_386] {strides = array<i32>} : memref<3x2048xf32, #tpu.memory_space<vmem>>, vector<16xf32>,
        %get3A_388 = arith.index_cast %mul3A_375 : i32 to index
        %get3A_389 = tpu.vector_load %arg8[%get3A_388] {strides = array<i32>} : memref<2048xf32, #tpu.memory_space<vmem>>, vector<16xf32>,
        %mul3A_390 = vector.broadcast %squeeze3A : f32 to vector<16xf32>
        %mul3A_391 = arith.mulf %mul3A_390, %get3A_379 : vector<16xf32>
        %add3A_392 = arith.addf %get3A_389, %mul3A_391 : vector<16xf32>
        %mul3A_393 = vector.broadcast %squeeze3A_96 : f32 to vector<16xf32>
        %mul3A_394 = arith.mulf %mul3A_393, %get3A_383 : vector<16xf32>
        %add3A_395 = arith.addf %add3A_392, %mul3A_394 : vector<16xf32>
        %mul3A_396 = vector.broadcast %squeeze3A_112 : f32 to vector<16xf32>
        %mul3A_397 = arith.mulf %mul3A_396, %get3A_387 : vector<16xf32>
        %add3A_398 = arith.addf %add3A_395, %mul3A_397 : vector<16xf32>
        %min3A_399 = arith.minimumf %scan3A_366, %add3A_398 : vector<16xf32>
        %mul3A_400 = vector.broadcast %squeeze3A_82 : f32 to vector<16xf32>
        %mul3A_401 = arith.mulf %mul3A_400, %get3A_379 : vector<16xf32>
        %add3A_402 = arith.addf %get3A_389, %mul3A_401 : vector<16xf32>
        %mul3A_403 = vector.broadcast %squeeze3A_98 : f32 to vector<16xf32>
        %mul3A_404 = arith.mulf %mul3A_403, %get3A_383 : vector<16xf32>
        %add3A_405 = arith.addf %add3A_402, %mul3A_404 : vector<16xf32>
        %mul3A_406 = vector.broadcast %squeeze3A_114 : f32 to vector<16xf32>
        %mul3A_407 = arith.mulf %mul3A_406, %get3A_387 : vector<16xf32>
        %add3A_408 = arith.addf %add3A_405, %mul3A_407 : vector<16xf32>
        %min3A_409 = arith.minimumf %scan3A_367, %add3A_408 : vector<16xf32>
        %mul3A_410 = vector.broadcast %squeeze3A_84 : f32 to vector<16xf32>
        %mul3A_411 = arith.mulf %mul3A_410, %get3A_379 : vector<16xf32>
        %add3A_412 = arith.addf %get3A_389, %mul3A_411 : vector<16xf32>
        %mul3A_413 = vector.broadcast %squeeze3A_100 : f32 to vector<16xf32>
        %mul3A_414 = arith.mulf %mul3A_413, %get3A_383 : vector<16xf32>
        %add3A_415 = arith.addf %add3A_412, %mul3A_414 : vector<16xf32>
        %mul3A_416 = vector.broadcast %squeeze3A_116 : f32 to vector<16xf32>
        %mul3A_417 = arith.mulf %mul3A_416, %get3A_387 : vector<16xf32>
        %add3A_418 = arith.addf %add3A_415, %mul3A_417 : vector<16xf32>
        %min3A_419 = arith.minimumf %scan3A_368, %add3A_418 : vector<16xf32>
        %mul3A_420 = vector.broadcast %squeeze3A_86 : f32 to vector<16xf32>
        %mul3A_421 = arith.mulf %mul3A_420, %get3A_379 : vector<16xf32>
        %add3A_422 = arith.addf %get3A_389, %mul3A_421 : vector<16xf32>
        %mul3A_423 = vector.broadcast %squeeze3A_102 : f32 to vector<16xf32>
        %mul3A_424 = arith.mulf %mul3A_423, %get3A_383 : vector<16xf32>
        %add3A_425 = arith.addf %add3A_422, %mul3A_424 : vector<16xf32>
        %mul3A_426 = vector.broadcast %squeeze3A_118 : f32 to vector<16xf32>
        %mul3A_427 = arith.mulf %mul3A_426, %get3A_387 : vector<16xf32>
        %add3A_428 = arith.addf %add3A_425, %mul3A_427 : vector<16xf32>
        %min3A_429 = arith.minimumf %scan3A_369, %add3A_428 : vector<16xf32>
        %mul3A_430 = vector.broadcast %squeeze3A_88 : f32 to vector<16xf32>
        %mul3A_431 = arith.mulf %mul3A_430, %get3A_379 : vector<16xf32>
        %add3A_432 = arith.addf %get3A_389, %mul3A_431 : vector<16xf32>
        %mul3A_433 = vector.broadcast %squeeze3A_104 : f32 to vector<16xf32>
        %mul3A_434 = arith.mulf %mul3A_433, %get3A_383 : vector<16xf32>
        %add3A_435 = arith.addf %add3A_432, %mul3A_434 : vector<16xf32>
        %mul3A_436 = vector.broadcast %squeeze3A_120 : f32 to vector<16xf32>
        %mul3A_437 = arith.mulf %mul3A_436, %get3A_387 : vector<16xf32>
        %add3A_438 = arith.addf %add3A_435, %mul3A_437 : vector<16xf32>
        %min3A_439 = arith.minimumf %scan3A_370, %add3A_438 : vector<16xf32>
        %mul3A_440 = vector.broadcast %squeeze3A_90 : f32 to vector<16xf32>
        %mul3A_441 = arith.mulf %mul3A_440, %get3A_379 : vector<16xf32>
        %add3A_442 = arith.addf %get3A_389, %mul3A_441 : vector<16xf32>
        %mul3A_443 = vector.broadcast %squeeze3A_106 : f32 to vector<16xf32>
        %mul3A_444 = arith.mulf %mul3A_443, %get3A_383 : vector<16xf32>
        %add3A_445 = arith.addf %add3A_442, %mul3A_444 : vector<16xf32>
        %mul3A_446 = vector.broadcast %squeeze3A_122 : f32 to vector<16xf32>
        %mul3A_447 = arith.mulf %mul3A_446, %get3A_387 : vector<16xf32>
        %add3A_448 = arith.addf %add3A_445, %mul3A_447 : vector<16xf32>
        %min3A_449 = arith.minimumf %scan3A_371, %add3A_448 : vector<16xf32>
        %mul3A_450 = vector.broadcast %squeeze3A_92 : f32 to vector<16xf32>
        %mul3A_451 = arith.mulf %mul3A_450, %get3A_379 : vector<16xf32>
        %add3A_452 = arith.addf %get3A_389, %mul3A_451 : vector<16xf32>
        %mul3A_453 = vector.broadcast %squeeze3A_108 : f32 to vector<16xf32>
        %mul3A_454 = arith.mulf %mul3A_453, %get3A_383 : vector<16xf32>
        %add3A_455 = arith.addf %add3A_452, %mul3A_454 : vector<16xf32>
        %mul3A_456 = vector.broadcast %squeeze3A_124 : f32 to vector<16xf32>
        %mul3A_457 = arith.mulf %mul3A_456, %get3A_387 : vector<16xf32>
        %add3A_458 = arith.addf %add3A_455, %mul3A_457 : vector<16xf32>
        %min3A_459 = arith.minimumf %scan3A_372, %add3A_458 : vector<16xf32>
        %mul3A_460 = vector.broadcast %squeeze3A_94 : f32 to vector<16xf32>
        %mul3A_461 = arith.mulf %mul3A_460, %get3A_379 : vector<16xf32>
        %add3A_462 = arith.addf %get3A_389, %mul3A_461 : vector<16xf32>
        %mul3A_463 = vector.broadcast %squeeze3A_110 : f32 to vector<16xf32>
        %mul3A_464 = arith.mulf %mul3A_463, %get3A_383 : vector<16xf32>
        %add3A_465 = arith.addf %add3A_462, %mul3A_464 : vector<16xf32>
        %mul3A_466 = vector.broadcast %squeeze3A_126 : f32 to vector<16xf32>
        %mul3A_467 = arith.mulf %mul3A_466, %get3A_387 : vector<16xf32>
        %add3A_468 = arith.addf %add3A_465, %mul3A_467 : vector<16xf32>
        %min3A_469 = arith.minimumf %scan3A_373, %add3A_468 : vector<16xf32>
        scf.yield %min3A_399, %min3A_409, %min3A_419, %min3A_429, %min3A_439, %min3A_449, %min3A_459, %min3A_469 : vector<16xf32>, vector<16xf32>, vector<16xf32>, vector<16xf32>, vector<16xf32>, vector<16xf32>, vector<16xf32>, vector<16xf32>
      }
      %scan3A_148 = arith.constant 128 : i32
      %slice3A_149 = vector.extract_strided_slice %mul3A_64 {offsets = [8], sizes = [1], strides = [1]} : vector<16xf32> to vector<1xf32>
      %squeeze3A_150 = vector.extract %slice3A_149[0] : f32 from vector<1xf32>
      %slice3A_151 = vector.extract_strided_slice %mul3A_64 {offsets = [9], sizes = [1], strides = [1]} : vector<16xf32> to vector<1xf32>
      %squeeze3A_152 = vector.extract %slice3A_151[0] : f32 from vector<1xf32>
      %slice3A_153 = vector.extract_strided_slice %mul3A_64 {offsets = [10], sizes = [1], strides = [1]} : vector<16xf32> to vector<1xf32>
      %squeeze3A_154 = vector.extract %slice3A_153[0] : f32 from vector<1xf32>
      %slice3A_155 = vector.extract_strided_slice %mul3A_64 {offsets = [11], sizes = [1], strides = [1]} : vector<16xf32> to vector<1xf32>
      %squeeze3A_156 = vector.extract %slice3A_155[0] : f32 from vector<1xf32>
      %slice3A_157 = vector.extract_strided_slice %mul3A_64 {offsets = [12], sizes = [1], strides = [1]} : vector<16xf32> to vector<1xf32>
      %squeeze3A_158 = vector.extract %slice3A_157[0] : f32 from vector<1xf32>
      %slice3A_159 = vector.extract_strided_slice %mul3A_64 {offsets = [13], sizes = [1], strides = [1]} : vector<16xf32> to vector<1xf32>
      %squeeze3A_160 = vector.extract %slice3A_159[0] : f32 from vector<1xf32>
      %slice3A_161 = vector.extract_strided_slice %mul3A_64 {offsets = [14], sizes = [1], strides = [1]} : vector<16xf32> to vector<1xf32>
      %squeeze3A_162 = vector.extract %slice3A_161[0] : f32 from vector<1xf32>
      %slice3A_163 = vector.extract_strided_slice %mul3A_64 {offsets = [15], sizes = [1], strides = [1]} : vector<16xf32> to vector<1xf32>
      %squeeze3A_164 = vector.extract %slice3A_163[0] : f32 from vector<1xf32>
      %slice3A_165 = vector.extract_strided_slice %mul3A_71 {offsets = [8], sizes = [1], strides = [1]} : vector<16xf32> to vector<1xf32>
      %squeeze3A_166 = vector.extract %slice3A_165[0] : f32 from vector<1xf32>
      %slice3A_167 = vector.extract_strided_slice %mul3A_71 {offsets = [9], sizes = [1], strides = [1]} : vector<16xf32> to vector<1xf32>
      %squeeze3A_168 = vector.extract %slice3A_167[0] : f32 from vector<1xf32>
      %slice3A_169 = vector.extract_strided_slice %mul3A_71 {offsets = [10], sizes = [1], strides = [1]} : vector<16xf32> to vector<1xf32>
      %squeeze3A_170 = vector.extract %slice3A_169[0] : f32 from vector<1xf32>
      %slice3A_171 = vector.extract_strided_slice %mul3A_71 {offsets = [11], sizes = [1], strides = [1]} : vector<16xf32> to vector<1xf32>
      %squeeze3A_172 = vector.extract %slice3A_171[0] : f32 from vector<1xf32>
      %slice3A_173 = vector.extract_strided_slice %mul3A_71 {offsets = [12], sizes = [1], strides = [1]} : vector<16xf32> to vector<1xf32>
      %squeeze3A_174 = vector.extract %slice3A_173[0] : f32 from vector<1xf32>
      %slice3A_175 = vector.extract_strided_slice %mul3A_71 {offsets = [13], sizes = [1], strides = [1]} : vector<16xf32> to vector<1xf32>
      %squeeze3A_176 = vector.extract %slice3A_175[0] : f32 from vector<1xf32>
      %slice3A_177 = vector.extract_strided_slice %mul3A_71 {offsets = [14], sizes = [1], strides = [1]} : vector<16xf32> to vector<1xf32>
      %squeeze3A_178 = vector.extract %slice3A_177[0] : f32 from vector<1xf32>
      %slice3A_179 = vector.extract_strided_slice %mul3A_71 {offsets = [15], sizes = [1], strides = [1]} : vector<16xf32> to vector<1xf32>
      %squeeze3A_180 = vector.extract %slice3A_179[0] : f32 from vector<1xf32>
      %slice3A_181 = vector.extract_strided_slice %mul3A_78 {offsets = [8], sizes = [1], strides = [1]} : vector<16xf32> to vector<1xf32>
      %squeeze3A_182 = vector.extract %slice3A_181[0] : f32 from vector<1xf32>
      %slice3A_183 = vector.extract_strided_slice %mul3A_78 {offsets = [9], sizes = [1], strides = [1]} : vector<16xf32> to vector<1xf32>
      %squeeze3A_184 = vector.extract %slice3A_183[0] : f32 from vector<1xf32>
      %slice3A_185 = vector.extract_strided_slice %mul3A_78 {offsets = [10], sizes = [1], strides = [1]} : vector<16xf32> to vector<1xf32>
      %squeeze3A_186 = vector.extract %slice3A_185[0] : f32 from vector<1xf32>
      %slice3A_187 = vector.extract_strided_slice %mul3A_78 {offsets = [11], sizes = [1], strides = [1]} : vector<16xf32> to vector<1xf32>
      %squeeze3A_188 = vector.extract %slice3A_187[0] : f32 from vector<1xf32>
      %slice3A_189 = vector.extract_strided_slice %mul3A_78 {offsets = [12], sizes = [1], strides = [1]} : vector<16xf32> to vector<1xf32>
      %squeeze3A_190 = vector.extract %slice3A_189[0] : f32 from vector<1xf32>
      %slice3A_191 = vector.extract_strided_slice %mul3A_78 {offsets = [13], sizes = [1], strides = [1]} : vector<16xf32> to vector<1xf32>
      %squeeze3A_192 = vector.extract %slice3A_191[0] : f32 from vector<1xf32>
      %slice3A_193 = vector.extract_strided_slice %mul3A_78 {offsets = [14], sizes = [1], strides = [1]} : vector<16xf32> to vector<1xf32>
      %squeeze3A_194 = vector.extract %slice3A_193[0] : f32 from vector<1xf32>
      %slice3A_195 = vector.extract_strided_slice %mul3A_78 {offsets = [15], sizes = [1], strides = [1]} : vector<16xf32> to vector<1xf32>
      %squeeze3A_196 = vector.extract %slice3A_195[0] : f32 from vector<1xf32>
      %broadcast_in_dim3A_197 = arith.constant 0x7F800000 : f32
      %broadcast_in_dim3A_198 = vector.broadcast %broadcast_in_dim3A_197 : f32 to vector<16xf32>
      %broadcast_in_dim3A_199 = arith.constant 0x7F800000 : f32
      %broadcast_in_dim3A_200 = vector.broadcast %broadcast_in_dim3A_199 : f32 to vector<16xf32>
      %broadcast_in_dim3A_201 = arith.constant 0x7F800000 : f32
      %broadcast_in_dim3A_202 = vector.broadcast %broadcast_in_dim3A_201 : f32 to vector<16xf32>
      %broadcast_in_dim3A_203 = arith.constant 0x7F800000 : f32
      %broadcast_in_dim3A_204 = vector.broadcast %broadcast_in_dim3A_203 : f32 to vector<16xf32>
      %broadcast_in_dim3A_205 = arith.constant 0x7F800000 : f32
      %broadcast_in_dim3A_206 = vector.broadcast %broadcast_in_dim3A_205 : f32 to vector<16xf32>
      %broadcast_in_dim3A_207 = arith.constant 0x7F800000 : f32
      %broadcast_in_dim3A_208 = vector.broadcast %broadcast_in_dim3A_207 : f32 to vector<16xf32>
      %broadcast_in_dim3A_209 = arith.constant 0x7F800000 : f32
      %broadcast_in_dim3A_210 = vector.broadcast %broadcast_in_dim3A_209 : f32 to vector<16xf32>
      %broadcast_in_dim3A_211 = arith.constant 0x7F800000 : f32
      %broadcast_in_dim3A_212 = vector.broadcast %broadcast_in_dim3A_211 : f32 to vector<16xf32>
      %scan3A_213 = arith.constant 0 : i32
      %scan3A_214 = arith.constant 128 : i32
      %scan3A_215 = arith.addi %scan3A_213, %scan3A_214 : i32
      %scan3A_216 = arith.constant 1 : i32
      %scan3A_217:8 = scf.for %scan3A_365 = %scan3A_213 to %scan3A_215 step %scan3A_216 iter_args(%scan3A_366 = %broadcast_in_dim3A_198, %scan3A_367 = %broadcast_in_dim3A_200, %scan3A_368 = %broadcast_in_dim3A_202, %scan3A_369 = %broadcast_in_dim3A_204, %scan3A_370 = %broadcast_in_dim3A_206, %scan3A_371 = %broadcast_in_dim3A_208, %scan3A_372 = %broadcast_in_dim3A_210, %scan3A_373 = %broadcast_in_dim3A_212) -> (vector<16xf32>, vector<16xf32>, vector<16xf32>, vector<16xf32>, vector<16xf32>, vector<16xf32>, vector<16xf32>, vector<16xf32>)  : i32 {
        %mul3A_374 = arith.constant 16 : i32
        %mul3A_375 = arith.muli %scan3A_365, %mul3A_374 : i32
        %get3A_376 = arith.constant 0 : i32
        %get3A_377 = arith.index_cast %get3A_376 : i32 to index
        %get3A_378 = arith.index_cast %mul3A_375 : i32 to index
        %get3A_379 = tpu.vector_load %arg6[%get3A_377, %get3A_378] {strides = array<i32>} : memref<3x2048xf32, #tpu.memory_space<vmem>>, vector<16xf32>,
        %get3A_380 = arith.constant 1 : i32
        %get3A_381 = arith.index_cast %get3A_380 : i32 to index
        %get3A_382 = arith.index_cast %mul3A_375 : i32 to index
        %get3A_383 = tpu.vector_load %arg6[%get3A_381, %get3A_382] {strides = array<i32>} : memref<3x2048xf32, #tpu.memory_space<vmem>>, vector<16xf32>,
        %get3A_384 = arith.constant 2 : i32
        %get3A_385 = arith.index_cast %get3A_384 : i32 to index
        %get3A_386 = arith.index_cast %mul3A_375 : i32 to index
        %get3A_387 = tpu.vector_load %arg6[%get3A_385, %get3A_386] {strides = array<i32>} : memref<3x2048xf32, #tpu.memory_space<vmem>>, vector<16xf32>,
        %get3A_388 = arith.index_cast %mul3A_375 : i32 to index
        %get3A_389 = tpu.vector_load %arg8[%get3A_388] {strides = array<i32>} : memref<2048xf32, #tpu.memory_space<vmem>>, vector<16xf32>,
        %mul3A_390 = vector.broadcast %squeeze3A_150 : f32 to vector<16xf32>
        %mul3A_391 = arith.mulf %mul3A_390, %get3A_379 : vector<16xf32>
        %add3A_392 = arith.addf %get3A_389, %mul3A_391 : vector<16xf32>
        %mul3A_393 = vector.broadcast %squeeze3A_166 : f32 to vector<16xf32>
        %mul3A_394 = arith.mulf %mul3A_393, %get3A_383 : vector<16xf32>
        %add3A_395 = arith.addf %add3A_392, %mul3A_394 : vector<16xf32>
        %mul3A_396 = vector.broadcast %squeeze3A_182 : f32 to vector<16xf32>
        %mul3A_397 = arith.mulf %mul3A_396, %get3A_387 : vector<16xf32>
        %add3A_398 = arith.addf %add3A_395, %mul3A_397 : vector<16xf32>
        %min3A_399 = arith.minimumf %scan3A_366, %add3A_398 : vector<16xf32>
        %mul3A_400 = vector.broadcast %squeeze3A_152 : f32 to vector<16xf32>
        %mul3A_401 = arith.mulf %mul3A_400, %get3A_379 : vector<16xf32>
        %add3A_402 = arith.addf %get3A_389, %mul3A_401 : vector<16xf32>
        %mul3A_403 = vector.broadcast %squeeze3A_168 : f32 to vector<16xf32>
        %mul3A_404 = arith.mulf %mul3A_403, %get3A_383 : vector<16xf32>
        %add3A_405 = arith.addf %add3A_402, %mul3A_404 : vector<16xf32>
        %mul3A_406 = vector.broadcast %squeeze3A_184 : f32 to vector<16xf32>
        %mul3A_407 = arith.mulf %mul3A_406, %get3A_387 : vector<16xf32>
        %add3A_408 = arith.addf %add3A_405, %mul3A_407 : vector<16xf32>
        %min3A_409 = arith.minimumf %scan3A_367, %add3A_408 : vector<16xf32>
        %mul3A_410 = vector.broadcast %squeeze3A_154 : f32 to vector<16xf32>
        %mul3A_411 = arith.mulf %mul3A_410, %get3A_379 : vector<16xf32>
        %add3A_412 = arith.addf %get3A_389, %mul3A_411 : vector<16xf32>
        %mul3A_413 = vector.broadcast %squeeze3A_170 : f32 to vector<16xf32>
        %mul3A_414 = arith.mulf %mul3A_413, %get3A_383 : vector<16xf32>
        %add3A_415 = arith.addf %add3A_412, %mul3A_414 : vector<16xf32>
        %mul3A_416 = vector.broadcast %squeeze3A_186 : f32 to vector<16xf32>
        %mul3A_417 = arith.mulf %mul3A_416, %get3A_387 : vector<16xf32>
        %add3A_418 = arith.addf %add3A_415, %mul3A_417 : vector<16xf32>
        %min3A_419 = arith.minimumf %scan3A_368, %add3A_418 : vector<16xf32>
        %mul3A_420 = vector.broadcast %squeeze3A_156 : f32 to vector<16xf32>
        %mul3A_421 = arith.mulf %mul3A_420, %get3A_379 : vector<16xf32>
        %add3A_422 = arith.addf %get3A_389, %mul3A_421 : vector<16xf32>
        %mul3A_423 = vector.broadcast %squeeze3A_172 : f32 to vector<16xf32>
        %mul3A_424 = arith.mulf %mul3A_423, %get3A_383 : vector<16xf32>
        %add3A_425 = arith.addf %add3A_422, %mul3A_424 : vector<16xf32>
        %mul3A_426 = vector.broadcast %squeeze3A_188 : f32 to vector<16xf32>
        %mul3A_427 = arith.mulf %mul3A_426, %get3A_387 : vector<16xf32>
        %add3A_428 = arith.addf %add3A_425, %mul3A_427 : vector<16xf32>
        %min3A_429 = arith.minimumf %scan3A_369, %add3A_428 : vector<16xf32>
        %mul3A_430 = vector.broadcast %squeeze3A_158 : f32 to vector<16xf32>
        %mul3A_431 = arith.mulf %mul3A_430, %get3A_379 : vector<16xf32>
        %add3A_432 = arith.addf %get3A_389, %mul3A_431 : vector<16xf32>
        %mul3A_433 = vector.broadcast %squeeze3A_174 : f32 to vector<16xf32>
        %mul3A_434 = arith.mulf %mul3A_433, %get3A_383 : vector<16xf32>
        %add3A_435 = arith.addf %add3A_432, %mul3A_434 : vector<16xf32>
        %mul3A_436 = vector.broadcast %squeeze3A_190 : f32 to vector<16xf32>
        %mul3A_437 = arith.mulf %mul3A_436, %get3A_387 : vector<16xf32>
        %add3A_438 = arith.addf %add3A_435, %mul3A_437 : vector<16xf32>
        %min3A_439 = arith.minimumf %scan3A_370, %add3A_438 : vector<16xf32>
        %mul3A_440 = vector.broadcast %squeeze3A_160 : f32 to vector<16xf32>
        %mul3A_441 = arith.mulf %mul3A_440, %get3A_379 : vector<16xf32>
        %add3A_442 = arith.addf %get3A_389, %mul3A_441 : vector<16xf32>
        %mul3A_443 = vector.broadcast %squeeze3A_176 : f32 to vector<16xf32>
        %mul3A_444 = arith.mulf %mul3A_443, %get3A_383 : vector<16xf32>
        %add3A_445 = arith.addf %add3A_442, %mul3A_444 : vector<16xf32>
        %mul3A_446 = vector.broadcast %squeeze3A_192 : f32 to vector<16xf32>
        %mul3A_447 = arith.mulf %mul3A_446, %get3A_387 : vector<16xf32>
        %add3A_448 = arith.addf %add3A_445, %mul3A_447 : vector<16xf32>
        %min3A_449 = arith.minimumf %scan3A_371, %add3A_448 : vector<16xf32>
        %mul3A_450 = vector.broadcast %squeeze3A_162 : f32 to vector<16xf32>
        %mul3A_451 = arith.mulf %mul3A_450, %get3A_379 : vector<16xf32>
        %add3A_452 = arith.addf %get3A_389, %mul3A_451 : vector<16xf32>
        %mul3A_453 = vector.broadcast %squeeze3A_178 : f32 to vector<16xf32>
        %mul3A_454 = arith.mulf %mul3A_453, %get3A_383 : vector<16xf32>
        %add3A_455 = arith.addf %add3A_452, %mul3A_454 : vector<16xf32>
        %mul3A_456 = vector.broadcast %squeeze3A_194 : f32 to vector<16xf32>
        %mul3A_457 = arith.mulf %mul3A_456, %get3A_387 : vector<16xf32>
        %add3A_458 = arith.addf %add3A_455, %mul3A_457 : vector<16xf32>
        %min3A_459 = arith.minimumf %scan3A_372, %add3A_458 : vector<16xf32>
        %mul3A_460 = vector.broadcast %squeeze3A_164 : f32 to vector<16xf32>
        %mul3A_461 = arith.mulf %mul3A_460, %get3A_379 : vector<16xf32>
        %add3A_462 = arith.addf %get3A_389, %mul3A_461 : vector<16xf32>
        %mul3A_463 = vector.broadcast %squeeze3A_180 : f32 to vector<16xf32>
        %mul3A_464 = arith.mulf %mul3A_463, %get3A_383 : vector<16xf32>
        %add3A_465 = arith.addf %add3A_462, %mul3A_464 : vector<16xf32>
        %mul3A_466 = vector.broadcast %squeeze3A_196 : f32 to vector<16xf32>
        %mul3A_467 = arith.mulf %mul3A_466, %get3A_387 : vector<16xf32>
        %add3A_468 = arith.addf %add3A_465, %mul3A_467 : vector<16xf32>
        %min3A_469 = arith.minimumf %scan3A_373, %add3A_468 : vector<16xf32>
        scf.yield %min3A_399, %min3A_409, %min3A_419, %min3A_429, %min3A_439, %min3A_449, %min3A_459, %min3A_469 : vector<16xf32>, vector<16xf32>, vector<16xf32>, vector<16xf32>, vector<16xf32>, vector<16xf32>, vector<16xf32>, vector<16xf32>
      }
      %scan3A_218 = arith.constant 128 : i32
      %mul3A_219 = arith.constant 16 : i32
      %mul3A_220 = vector.broadcast %mul3A_219 : i32 to vector<16xi32>
      %mul3A_221 = arith.muli %iota3A, %mul3A_220 : vector<16xi32>
      %add3A_222 = arith.constant 0 : i32
      %add3A_223 = vector.broadcast %add3A_222 : i32 to vector<16xi32>
      %add3A_224 = arith.addi %mul3A_221, %add3A_223 : vector<16xi32>
      tpu.vector_store_idx %arg10[%add3A_224], %scan3A_147#0 : memref<256xf32, #tpu.memory_space<vmem>>[vector<16xi32>], vector<16xf32>,
      %mul3A_225 = arith.constant 16 : i32
      %mul3A_226 = vector.broadcast %mul3A_225 : i32 to vector<16xi32>
      %mul3A_227 = arith.muli %iota3A, %mul3A_226 : vector<16xi32>
      %add3A_228 = arith.constant 1 : i32
      %add3A_229 = vector.broadcast %add3A_228 : i32 to vector<16xi32>
      %add3A_230 = arith.addi %mul3A_227, %add3A_229 : vector<16xi32>
      tpu.vector_store_idx %arg10[%add3A_230], %scan3A_147#1 : memref<256xf32, #tpu.memory_space<vmem>>[vector<16xi32>], vector<16xf32>,
      %mul3A_231 = arith.constant 16 : i32
      %mul3A_232 = vector.broadcast %mul3A_231 : i32 to vector<16xi32>
      %mul3A_233 = arith.muli %iota3A, %mul3A_232 : vector<16xi32>
      %add3A_234 = arith.constant 2 : i32
      %add3A_235 = vector.broadcast %add3A_234 : i32 to vector<16xi32>
      %add3A_236 = arith.addi %mul3A_233, %add3A_235 : vector<16xi32>
      tpu.vector_store_idx %arg10[%add3A_236], %scan3A_147#2 : memref<256xf32, #tpu.memory_space<vmem>>[vector<16xi32>], vector<16xf32>,
      %mul3A_237 = arith.constant 16 : i32
      %mul3A_238 = vector.broadcast %mul3A_237 : i32 to vector<16xi32>
      %mul3A_239 = arith.muli %iota3A, %mul3A_238 : vector<16xi32>
      %add3A_240 = arith.constant 3 : i32
      %add3A_241 = vector.broadcast %add3A_240 : i32 to vector<16xi32>
      %add3A_242 = arith.addi %mul3A_239, %add3A_241 : vector<16xi32>
      tpu.vector_store_idx %arg10[%add3A_242], %scan3A_147#3 : memref<256xf32, #tpu.memory_space<vmem>>[vector<16xi32>], vector<16xf32>,
      %mul3A_243 = arith.constant 16 : i32
      %mul3A_244 = vector.broadcast %mul3A_243 : i32 to vector<16xi32>
      %mul3A_245 = arith.muli %iota3A, %mul3A_244 : vector<16xi32>
      %add3A_246 = arith.constant 4 : i32
      %add3A_247 = vector.broadcast %add3A_246 : i32 to vector<16xi32>
      %add3A_248 = arith.addi %mul3A_245, %add3A_247 : vector<16xi32>
      tpu.vector_store_idx %arg10[%add3A_248], %scan3A_147#4 : memref<256xf32, #tpu.memory_space<vmem>>[vector<16xi32>], vector<16xf32>,
      %mul3A_249 = arith.constant 16 : i32
      %mul3A_250 = vector.broadcast %mul3A_249 : i32 to vector<16xi32>
      %mul3A_251 = arith.muli %iota3A, %mul3A_250 : vector<16xi32>
      %add3A_252 = arith.constant 5 : i32
      %add3A_253 = vector.broadcast %add3A_252 : i32 to vector<16xi32>
      %add3A_254 = arith.addi %mul3A_251, %add3A_253 : vector<16xi32>
      tpu.vector_store_idx %arg10[%add3A_254], %scan3A_147#5 : memref<256xf32, #tpu.memory_space<vmem>>[vector<16xi32>], vector<16xf32>,
      %mul3A_255 = arith.constant 16 : i32
      %mul3A_256 = vector.broadcast %mul3A_255 : i32 to vector<16xi32>
      %mul3A_257 = arith.muli %iota3A, %mul3A_256 : vector<16xi32>
      %add3A_258 = arith.constant 6 : i32
      %add3A_259 = vector.broadcast %add3A_258 : i32 to vector<16xi32>
      %add3A_260 = arith.addi %mul3A_257, %add3A_259 : vector<16xi32>
      tpu.vector_store_idx %arg10[%add3A_260], %scan3A_147#6 : memref<256xf32, #tpu.memory_space<vmem>>[vector<16xi32>], vector<16xf32>,
      %mul3A_261 = arith.constant 16 : i32
      %mul3A_262 = vector.broadcast %mul3A_261 : i32 to vector<16xi32>
      %mul3A_263 = arith.muli %iota3A, %mul3A_262 : vector<16xi32>
      %add3A_264 = arith.constant 7 : i32
      %add3A_265 = vector.broadcast %add3A_264 : i32 to vector<16xi32>
      %add3A_266 = arith.addi %mul3A_263, %add3A_265 : vector<16xi32>
      tpu.vector_store_idx %arg10[%add3A_266], %scan3A_147#7 : memref<256xf32, #tpu.memory_space<vmem>>[vector<16xi32>], vector<16xf32>,
      %mul3A_267 = arith.constant 16 : i32
      %mul3A_268 = vector.broadcast %mul3A_267 : i32 to vector<16xi32>
      %mul3A_269 = arith.muli %iota3A, %mul3A_268 : vector<16xi32>
      %add3A_270 = arith.constant 8 : i32
      %add3A_271 = vector.broadcast %add3A_270 : i32 to vector<16xi32>
      %add3A_272 = arith.addi %mul3A_269, %add3A_271 : vector<16xi32>
      tpu.vector_store_idx %arg10[%add3A_272], %scan3A_217#0 : memref<256xf32, #tpu.memory_space<vmem>>[vector<16xi32>], vector<16xf32>,
      %mul3A_273 = arith.constant 16 : i32
      %mul3A_274 = vector.broadcast %mul3A_273 : i32 to vector<16xi32>
      %mul3A_275 = arith.muli %iota3A, %mul3A_274 : vector<16xi32>
      %add3A_276 = arith.constant 9 : i32
      %add3A_277 = vector.broadcast %add3A_276 : i32 to vector<16xi32>
      %add3A_278 = arith.addi %mul3A_275, %add3A_277 : vector<16xi32>
      tpu.vector_store_idx %arg10[%add3A_278], %scan3A_217#1 : memref<256xf32, #tpu.memory_space<vmem>>[vector<16xi32>], vector<16xf32>,
      %mul3A_279 = arith.constant 16 : i32
      %mul3A_280 = vector.broadcast %mul3A_279 : i32 to vector<16xi32>
      %mul3A_281 = arith.muli %iota3A, %mul3A_280 : vector<16xi32>
      %add3A_282 = arith.constant 10 : i32
      %add3A_283 = vector.broadcast %add3A_282 : i32 to vector<16xi32>
      %add3A_284 = arith.addi %mul3A_281, %add3A_283 : vector<16xi32>
      tpu.vector_store_idx %arg10[%add3A_284], %scan3A_217#2 : memref<256xf32, #tpu.memory_space<vmem>>[vector<16xi32>], vector<16xf32>,
      %mul3A_285 = arith.constant 16 : i32
      %mul3A_286 = vector.broadcast %mul3A_285 : i32 to vector<16xi32>
      %mul3A_287 = arith.muli %iota3A, %mul3A_286 : vector<16xi32>
      %add3A_288 = arith.constant 11 : i32
      %add3A_289 = vector.broadcast %add3A_288 : i32 to vector<16xi32>
      %add3A_290 = arith.addi %mul3A_287, %add3A_289 : vector<16xi32>
      tpu.vector_store_idx %arg10[%add3A_290], %scan3A_217#3 : memref<256xf32, #tpu.memory_space<vmem>>[vector<16xi32>], vector<16xf32>,
      %mul3A_291 = arith.constant 16 : i32
      %mul3A_292 = vector.broadcast %mul3A_291 : i32 to vector<16xi32>
      %mul3A_293 = arith.muli %iota3A, %mul3A_292 : vector<16xi32>
      %add3A_294 = arith.constant 12 : i32
      %add3A_295 = vector.broadcast %add3A_294 : i32 to vector<16xi32>
      %add3A_296 = arith.addi %mul3A_293, %add3A_295 : vector<16xi32>
      tpu.vector_store_idx %arg10[%add3A_296], %scan3A_217#4 : memref<256xf32, #tpu.memory_space<vmem>>[vector<16xi32>], vector<16xf32>,
      %mul3A_297 = arith.constant 16 : i32
      %mul3A_298 = vector.broadcast %mul3A_297 : i32 to vector<16xi32>
      %mul3A_299 = arith.muli %iota3A, %mul3A_298 : vector<16xi32>
      %add3A_300 = arith.constant 13 : i32
      %add3A_301 = vector.broadcast %add3A_300 : i32 to vector<16xi32>
      %add3A_302 = arith.addi %mul3A_299, %add3A_301 : vector<16xi32>
      tpu.vector_store_idx %arg10[%add3A_302], %scan3A_217#5 : memref<256xf32, #tpu.memory_space<vmem>>[vector<16xi32>], vector<16xf32>,
      %mul3A_303 = arith.constant 16 : i32
      %mul3A_304 = vector.broadcast %mul3A_303 : i32 to vector<16xi32>
      %mul3A_305 = arith.muli %iota3A, %mul3A_304 : vector<16xi32>
      %add3A_306 = arith.constant 14 : i32
      %add3A_307 = vector.broadcast %add3A_306 : i32 to vector<16xi32>
      %add3A_308 = arith.addi %mul3A_305, %add3A_307 : vector<16xi32>
      tpu.vector_store_idx %arg10[%add3A_308], %scan3A_217#6 : memref<256xf32, #tpu.memory_space<vmem>>[vector<16xi32>], vector<16xf32>,
      %mul3A_309 = arith.constant 16 : i32
      %mul3A_310 = vector.broadcast %mul3A_309 : i32 to vector<16xi32>
      %mul3A_311 = arith.muli %iota3A, %mul3A_310 : vector<16xi32>
      %add3A_312 = arith.constant 15 : i32
      %add3A_313 = vector.broadcast %add3A_312 : i32 to vector<16xi32>
      %add3A_314 = arith.addi %mul3A_311, %add3A_313 : vector<16xi32>
      tpu.vector_store_idx %arg10[%add3A_314], %scan3A_217#7 : memref<256xf32, #tpu.memory_space<vmem>>[vector<16xi32>], vector<16xf32>,
      %get3A_315 = arith.constant 0 : index
      %get3A_316 = tpu.vector_load %arg10[%get3A_315] {strides = array<i32>} : memref<256xf32, #tpu.memory_space<vmem>>, vector<16xf32>,
      %get3A_317 = arith.constant 16 : index
      %get3A_318 = tpu.vector_load %arg10[%get3A_317] {strides = array<i32>} : memref<256xf32, #tpu.memory_space<vmem>>, vector<16xf32>,
      %min3A = arith.minimumf %get3A_316, %get3A_318 : vector<16xf32>
      %get3A_319 = arith.constant 32 : index
      %get3A_320 = tpu.vector_load %arg10[%get3A_319] {strides = array<i32>} : memref<256xf32, #tpu.memory_space<vmem>>, vector<16xf32>,
      %min3A_321 = arith.minimumf %min3A, %get3A_320 : vector<16xf32>
      %get3A_322 = arith.constant 48 : index
      %get3A_323 = tpu.vector_load %arg10[%get3A_322] {strides = array<i32>} : memref<256xf32, #tpu.memory_space<vmem>>, vector<16xf32>,
      %min3A_324 = arith.minimumf %min3A_321, %get3A_323 : vector<16xf32>
      %get3A_325 = arith.constant 64 : index
      %get3A_326 = tpu.vector_load %arg10[%get3A_325] {strides = array<i32>} : memref<256xf32, #tpu.memory_space<vmem>>, vector<16xf32>,
      %min3A_327 = arith.minimumf %min3A_324, %get3A_326 : vector<16xf32>
      %get3A_328 = arith.constant 80 : index
      %get3A_329 = tpu.vector_load %arg10[%get3A_328] {strides = array<i32>} : memref<256xf32, #tpu.memory_space<vmem>>, vector<16xf32>,
      %min3A_330 = arith.minimumf %min3A_327, %get3A_329 : vector<16xf32>
      %get3A_331 = arith.constant 96 : index
      %get3A_332 = tpu.vector_load %arg10[%get3A_331] {strides = array<i32>} : memref<256xf32, #tpu.memory_space<vmem>>, vector<16xf32>,
      %min3A_333 = arith.minimumf %min3A_330, %get3A_332 : vector<16xf32>
      %get3A_334 = arith.constant 112 : index
      %get3A_335 = tpu.vector_load %arg10[%get3A_334] {strides = array<i32>} : memref<256xf32, #tpu.memory_space<vmem>>, vector<16xf32>,
      %min3A_336 = arith.minimumf %min3A_333, %get3A_335 : vector<16xf32>
      %get3A_337 = arith.constant 128 : index
      %get3A_338 = tpu.vector_load %arg10[%get3A_337] {strides = array<i32>} : memref<256xf32, #tpu.memory_space<vmem>>, vector<16xf32>,
      %min3A_339 = arith.minimumf %min3A_336, %get3A_338 : vector<16xf32>
      %get3A_340 = arith.constant 144 : index
      %get3A_341 = tpu.vector_load %arg10[%get3A_340] {strides = array<i32>} : memref<256xf32, #tpu.memory_space<vmem>>, vector<16xf32>,
      %min3A_342 = arith.minimumf %min3A_339, %get3A_341 : vector<16xf32>
      %get3A_343 = arith.constant 160 : index
      %get3A_344 = tpu.vector_load %arg10[%get3A_343] {strides = array<i32>} : memref<256xf32, #tpu.memory_space<vmem>>, vector<16xf32>,
      %min3A_345 = arith.minimumf %min3A_342, %get3A_344 : vector<16xf32>
      %get3A_346 = arith.constant 176 : index
      %get3A_347 = tpu.vector_load %arg10[%get3A_346] {strides = array<i32>} : memref<256xf32, #tpu.memory_space<vmem>>, vector<16xf32>,
      %min3A_348 = arith.minimumf %min3A_345, %get3A_347 : vector<16xf32>
      %get3A_349 = arith.constant 192 : index
      %get3A_350 = tpu.vector_load %arg10[%get3A_349] {strides = array<i32>} : memref<256xf32, #tpu.memory_space<vmem>>, vector<16xf32>,
      %min3A_351 = arith.minimumf %min3A_348, %get3A_350 : vector<16xf32>
      %get3A_352 = arith.constant 208 : index
      %get3A_353 = tpu.vector_load %arg10[%get3A_352] {strides = array<i32>} : memref<256xf32, #tpu.memory_space<vmem>>, vector<16xf32>,
      %min3A_354 = arith.minimumf %min3A_351, %get3A_353 : vector<16xf32>
      %get3A_355 = arith.constant 224 : index
      %get3A_356 = tpu.vector_load %arg10[%get3A_355] {strides = array<i32>} : memref<256xf32, #tpu.memory_space<vmem>>, vector<16xf32>,
      %min3A_357 = arith.minimumf %min3A_354, %get3A_356 : vector<16xf32>
      %get3A_358 = arith.constant 240 : index
      %get3A_359 = tpu.vector_load %arg10[%get3A_358] {strides = array<i32>} : memref<256xf32, #tpu.memory_space<vmem>>, vector<16xf32>,
      %min3A_360 = arith.minimumf %min3A_357, %get3A_359 : vector<16xf32>
      %add3A_361 = arith.addf %get3A_80, %min3A_360 : vector<16xf32>
      %max3A = arith.constant 0.000000e+00 : f32
      %max3A_362 = vector.broadcast %max3A : f32 to vector<16xf32>
      %max3A_363 = arith.maximumf %add3A_361, %max3A_362 : vector<16xf32>
      %add3A_364 = arith.addf %scan3A_55, %max3A_363 : vector<16xf32>
      scf.yield %add3A_364 : vector<16xf32>
    }
    %scan3A_45 = arith.constant 8 : i32
    %iota3A_46 = tpu.iota {dimensions = array<i32: 0>} : vector<16xi32>
    %scan3A_47 = arith.constant 0 : i32
    %scan3A_48 = arith.constant 8 : i32
    %scan3A_49 = arith.addi %scan3A_47, %scan3A_48 : i32
    %scan3A_50 = arith.constant 1 : i32
    %scan3A_51 = scf.for %scan3A_54 = %scan3A_47 to %scan3A_49 step %scan3A_50 iter_args(%scan3A_55 = %scan3A_44) -> (vector<16xf32>)  : i32 {
      %mul3A_56 = arith.constant 16 : i32
      %mul3A_57 = arith.muli %scan3A_54, %mul3A_56 : i32
      %add3A_58 = arith.addi %mul3A_32, %mul3A_57 : i32
      %get3A = arith.constant 0 : i32
      %get3A_59 = arith.index_cast %get3A : i32 to index
      %get3A_60 = arith.index_cast %add3A_58 : i32 to index
      %get3A_61 = tpu.vector_load %arg6[%get3A_59, %get3A_60] {strides = array<i32>} : memref<3x2048xf32, #tpu.memory_space<vmem>>, vector<16xf32>,
      %mul3A_62 = arith.constant -2.000000e+00 : f32
      %mul3A_63 = vector.broadcast %mul3A_62 : f32 to vector<16xf32>
      %mul3A_64 = arith.mulf %mul3A_63, %get3A_61 : vector<16xf32>
      %get3A_65 = arith.constant 1 : i32
      %get3A_66 = arith.index_cast %get3A_65 : i32 to index
      %get3A_67 = arith.index_cast %add3A_58 : i32 to index
      %get3A_68 = tpu.vector_load %arg6[%get3A_66, %get3A_67] {strides = array<i32>} : memref<3x2048xf32, #tpu.memory_space<vmem>>, vector<16xf32>,
      %mul3A_69 = arith.constant -2.000000e+00 : f32
      %mul3A_70 = vector.broadcast %mul3A_69 : f32 to vector<16xf32>
      %mul3A_71 = arith.mulf %mul3A_70, %get3A_68 : vector<16xf32>
      %get3A_72 = arith.constant 2 : i32
      %get3A_73 = arith.index_cast %get3A_72 : i32 to index
      %get3A_74 = arith.index_cast %add3A_58 : i32 to index
      %get3A_75 = tpu.vector_load %arg6[%get3A_73, %get3A_74] {strides = array<i32>} : memref<3x2048xf32, #tpu.memory_space<vmem>>, vector<16xf32>,
      %mul3A_76 = arith.constant -2.000000e+00 : f32
      %mul3A_77 = vector.broadcast %mul3A_76 : f32 to vector<16xf32>
      %mul3A_78 = arith.mulf %mul3A_77, %get3A_75 : vector<16xf32>
      %get3A_79 = arith.index_cast %add3A_58 : i32 to index
      %get3A_80 = tpu.vector_load %arg8[%get3A_79] {strides = array<i32>} : memref<2048xf32, #tpu.memory_space<vmem>>, vector<16xf32>,
      %slice3A = vector.extract_strided_slice %mul3A_64 {offsets = [0], sizes = [1], strides = [1]} : vector<16xf32> to vector<1xf32>
      %squeeze3A = vector.extract %slice3A[0] : f32 from vector<1xf32>
      %slice3A_81 = vector.extract_strided_slice %mul3A_64 {offsets = [1], sizes = [1], strides = [1]} : vector<16xf32> to vector<1xf32>
      %squeeze3A_82 = vector.extract %slice3A_81[0] : f32 from vector<1xf32>
      %slice3A_83 = vector.extract_strided_slice %mul3A_64 {offsets = [2], sizes = [1], strides = [1]} : vector<16xf32> to vector<1xf32>
      %squeeze3A_84 = vector.extract %slice3A_83[0] : f32 from vector<1xf32>
      %slice3A_85 = vector.extract_strided_slice %mul3A_64 {offsets = [3], sizes = [1], strides = [1]} : vector<16xf32> to vector<1xf32>
      %squeeze3A_86 = vector.extract %slice3A_85[0] : f32 from vector<1xf32>
      %slice3A_87 = vector.extract_strided_slice %mul3A_64 {offsets = [4], sizes = [1], strides = [1]} : vector<16xf32> to vector<1xf32>
      %squeeze3A_88 = vector.extract %slice3A_87[0] : f32 from vector<1xf32>
      %slice3A_89 = vector.extract_strided_slice %mul3A_64 {offsets = [5], sizes = [1], strides = [1]} : vector<16xf32> to vector<1xf32>
      %squeeze3A_90 = vector.extract %slice3A_89[0] : f32 from vector<1xf32>
      %slice3A_91 = vector.extract_strided_slice %mul3A_64 {offsets = [6], sizes = [1], strides = [1]} : vector<16xf32> to vector<1xf32>
      %squeeze3A_92 = vector.extract %slice3A_91[0] : f32 from vector<1xf32>
      %slice3A_93 = vector.extract_strided_slice %mul3A_64 {offsets = [7], sizes = [1], strides = [1]} : vector<16xf32> to vector<1xf32>
      %squeeze3A_94 = vector.extract %slice3A_93[0] : f32 from vector<1xf32>
      %slice3A_95 = vector.extract_strided_slice %mul3A_71 {offsets = [0], sizes = [1], strides = [1]} : vector<16xf32> to vector<1xf32>
      %squeeze3A_96 = vector.extract %slice3A_95[0] : f32 from vector<1xf32>
      %slice3A_97 = vector.extract_strided_slice %mul3A_71 {offsets = [1], sizes = [1], strides = [1]} : vector<16xf32> to vector<1xf32>
      %squeeze3A_98 = vector.extract %slice3A_97[0] : f32 from vector<1xf32>
      %slice3A_99 = vector.extract_strided_slice %mul3A_71 {offsets = [2], sizes = [1], strides = [1]} : vector<16xf32> to vector<1xf32>
      %squeeze3A_100 = vector.extract %slice3A_99[0] : f32 from vector<1xf32>
      %slice3A_101 = vector.extract_strided_slice %mul3A_71 {offsets = [3], sizes = [1], strides = [1]} : vector<16xf32> to vector<1xf32>
      %squeeze3A_102 = vector.extract %slice3A_101[0] : f32 from vector<1xf32>
      %slice3A_103 = vector.extract_strided_slice %mul3A_71 {offsets = [4], sizes = [1], strides = [1]} : vector<16xf32> to vector<1xf32>
      %squeeze3A_104 = vector.extract %slice3A_103[0] : f32 from vector<1xf32>
      %slice3A_105 = vector.extract_strided_slice %mul3A_71 {offsets = [5], sizes = [1], strides = [1]} : vector<16xf32> to vector<1xf32>
      %squeeze3A_106 = vector.extract %slice3A_105[0] : f32 from vector<1xf32>
      %slice3A_107 = vector.extract_strided_slice %mul3A_71 {offsets = [6], sizes = [1], strides = [1]} : vector<16xf32> to vector<1xf32>
      %squeeze3A_108 = vector.extract %slice3A_107[0] : f32 from vector<1xf32>
      %slice3A_109 = vector.extract_strided_slice %mul3A_71 {offsets = [7], sizes = [1], strides = [1]} : vector<16xf32> to vector<1xf32>
      %squeeze3A_110 = vector.extract %slice3A_109[0] : f32 from vector<1xf32>
      %slice3A_111 = vector.extract_strided_slice %mul3A_78 {offsets = [0], sizes = [1], strides = [1]} : vector<16xf32> to vector<1xf32>
      %squeeze3A_112 = vector.extract %slice3A_111[0] : f32 from vector<1xf32>
      %slice3A_113 = vector.extract_strided_slice %mul3A_78 {offsets = [1], sizes = [1], strides = [1]} : vector<16xf32> to vector<1xf32>
      %squeeze3A_114 = vector.extract %slice3A_113[0] : f32 from vector<1xf32>
      %slice3A_115 = vector.extract_strided_slice %mul3A_78 {offsets = [2], sizes = [1], strides = [1]} : vector<16xf32> to vector<1xf32>
      %squeeze3A_116 = vector.extract %slice3A_115[0] : f32 from vector<1xf32>
      %slice3A_117 = vector.extract_strided_slice %mul3A_78 {offsets = [3], sizes = [1], strides = [1]} : vector<16xf32> to vector<1xf32>
      %squeeze3A_118 = vector.extract %slice3A_117[0] : f32 from vector<1xf32>
      %slice3A_119 = vector.extract_strided_slice %mul3A_78 {offsets = [4], sizes = [1], strides = [1]} : vector<16xf32> to vector<1xf32>
      %squeeze3A_120 = vector.extract %slice3A_119[0] : f32 from vector<1xf32>
      %slice3A_121 = vector.extract_strided_slice %mul3A_78 {offsets = [5], sizes = [1], strides = [1]} : vector<16xf32> to vector<1xf32>
      %squeeze3A_122 = vector.extract %slice3A_121[0] : f32 from vector<1xf32>
      %slice3A_123 = vector.extract_strided_slice %mul3A_78 {offsets = [6], sizes = [1], strides = [1]} : vector<16xf32> to vector<1xf32>
      %squeeze3A_124 = vector.extract %slice3A_123[0] : f32 from vector<1xf32>
      %slice3A_125 = vector.extract_strided_slice %mul3A_78 {offsets = [7], sizes = [1], strides = [1]} : vector<16xf32> to vector<1xf32>
      %squeeze3A_126 = vector.extract %slice3A_125[0] : f32 from vector<1xf32>
      %broadcast_in_dim3A_127 = arith.constant 0x7F800000 : f32
      %broadcast_in_dim3A_128 = vector.broadcast %broadcast_in_dim3A_127 : f32 to vector<16xf32>
      %broadcast_in_dim3A_129 = arith.constant 0x7F800000 : f32
      %broadcast_in_dim3A_130 = vector.broadcast %broadcast_in_dim3A_129 : f32 to vector<16xf32>
      %broadcast_in_dim3A_131 = arith.constant 0x7F800000 : f32
      %broadcast_in_dim3A_132 = vector.broadcast %broadcast_in_dim3A_131 : f32 to vector<16xf32>
      %broadcast_in_dim3A_133 = arith.constant 0x7F800000 : f32
      %broadcast_in_dim3A_134 = vector.broadcast %broadcast_in_dim3A_133 : f32 to vector<16xf32>
      %broadcast_in_dim3A_135 = arith.constant 0x7F800000 : f32
      %broadcast_in_dim3A_136 = vector.broadcast %broadcast_in_dim3A_135 : f32 to vector<16xf32>
      %broadcast_in_dim3A_137 = arith.constant 0x7F800000 : f32
      %broadcast_in_dim3A_138 = vector.broadcast %broadcast_in_dim3A_137 : f32 to vector<16xf32>
      %broadcast_in_dim3A_139 = arith.constant 0x7F800000 : f32
      %broadcast_in_dim3A_140 = vector.broadcast %broadcast_in_dim3A_139 : f32 to vector<16xf32>
      %broadcast_in_dim3A_141 = arith.constant 0x7F800000 : f32
      %broadcast_in_dim3A_142 = vector.broadcast %broadcast_in_dim3A_141 : f32 to vector<16xf32>
      %scan3A_143 = arith.constant 0 : i32
      %scan3A_144 = arith.constant 128 : i32
      %scan3A_145 = arith.addi %scan3A_143, %scan3A_144 : i32
      %scan3A_146 = arith.constant 1 : i32
      %scan3A_147:8 = scf.for %scan3A_365 = %scan3A_143 to %scan3A_145 step %scan3A_146 iter_args(%scan3A_366 = %broadcast_in_dim3A_128, %scan3A_367 = %broadcast_in_dim3A_130, %scan3A_368 = %broadcast_in_dim3A_132, %scan3A_369 = %broadcast_in_dim3A_134, %scan3A_370 = %broadcast_in_dim3A_136, %scan3A_371 = %broadcast_in_dim3A_138, %scan3A_372 = %broadcast_in_dim3A_140, %scan3A_373 = %broadcast_in_dim3A_142) -> (vector<16xf32>, vector<16xf32>, vector<16xf32>, vector<16xf32>, vector<16xf32>, vector<16xf32>, vector<16xf32>, vector<16xf32>)  : i32 {
        %mul3A_374 = arith.constant 16 : i32
        %mul3A_375 = arith.muli %scan3A_365, %mul3A_374 : i32
        %get3A_376 = arith.constant 0 : i32
        %get3A_377 = arith.index_cast %get3A_376 : i32 to index
        %get3A_378 = arith.index_cast %mul3A_375 : i32 to index
        %get3A_379 = tpu.vector_load %arg5[%get3A_377, %get3A_378] {strides = array<i32>} : memref<3x2048xf32, #tpu.memory_space<vmem>>, vector<16xf32>,
        %get3A_380 = arith.constant 1 : i32
        %get3A_381 = arith.index_cast %get3A_380 : i32 to index
        %get3A_382 = arith.index_cast %mul3A_375 : i32 to index
        %get3A_383 = tpu.vector_load %arg5[%get3A_381, %get3A_382] {strides = array<i32>} : memref<3x2048xf32, #tpu.memory_space<vmem>>, vector<16xf32>,
        %get3A_384 = arith.constant 2 : i32
        %get3A_385 = arith.index_cast %get3A_384 : i32 to index
        %get3A_386 = arith.index_cast %mul3A_375 : i32 to index
        %get3A_387 = tpu.vector_load %arg5[%get3A_385, %get3A_386] {strides = array<i32>} : memref<3x2048xf32, #tpu.memory_space<vmem>>, vector<16xf32>,
        %get3A_388 = arith.index_cast %mul3A_375 : i32 to index
        %get3A_389 = tpu.vector_load %arg7[%get3A_388] {strides = array<i32>} : memref<2048xf32, #tpu.memory_space<vmem>>, vector<16xf32>,
        %mul3A_390 = vector.broadcast %squeeze3A : f32 to vector<16xf32>
        %mul3A_391 = arith.mulf %mul3A_390, %get3A_379 : vector<16xf32>
        %add3A_392 = arith.addf %get3A_389, %mul3A_391 : vector<16xf32>
        %mul3A_393 = vector.broadcast %squeeze3A_96 : f32 to vector<16xf32>
        %mul3A_394 = arith.mulf %mul3A_393, %get3A_383 : vector<16xf32>
        %add3A_395 = arith.addf %add3A_392, %mul3A_394 : vector<16xf32>
        %mul3A_396 = vector.broadcast %squeeze3A_112 : f32 to vector<16xf32>
        %mul3A_397 = arith.mulf %mul3A_396, %get3A_387 : vector<16xf32>
        %add3A_398 = arith.addf %add3A_395, %mul3A_397 : vector<16xf32>
        %min3A_399 = arith.minimumf %scan3A_366, %add3A_398 : vector<16xf32>
        %mul3A_400 = vector.broadcast %squeeze3A_82 : f32 to vector<16xf32>
        %mul3A_401 = arith.mulf %mul3A_400, %get3A_379 : vector<16xf32>
        %add3A_402 = arith.addf %get3A_389, %mul3A_401 : vector<16xf32>
        %mul3A_403 = vector.broadcast %squeeze3A_98 : f32 to vector<16xf32>
        %mul3A_404 = arith.mulf %mul3A_403, %get3A_383 : vector<16xf32>
        %add3A_405 = arith.addf %add3A_402, %mul3A_404 : vector<16xf32>
        %mul3A_406 = vector.broadcast %squeeze3A_114 : f32 to vector<16xf32>
        %mul3A_407 = arith.mulf %mul3A_406, %get3A_387 : vector<16xf32>
        %add3A_408 = arith.addf %add3A_405, %mul3A_407 : vector<16xf32>
        %min3A_409 = arith.minimumf %scan3A_367, %add3A_408 : vector<16xf32>
        %mul3A_410 = vector.broadcast %squeeze3A_84 : f32 to vector<16xf32>
        %mul3A_411 = arith.mulf %mul3A_410, %get3A_379 : vector<16xf32>
        %add3A_412 = arith.addf %get3A_389, %mul3A_411 : vector<16xf32>
        %mul3A_413 = vector.broadcast %squeeze3A_100 : f32 to vector<16xf32>
        %mul3A_414 = arith.mulf %mul3A_413, %get3A_383 : vector<16xf32>
        %add3A_415 = arith.addf %add3A_412, %mul3A_414 : vector<16xf32>
        %mul3A_416 = vector.broadcast %squeeze3A_116 : f32 to vector<16xf32>
        %mul3A_417 = arith.mulf %mul3A_416, %get3A_387 : vector<16xf32>
        %add3A_418 = arith.addf %add3A_415, %mul3A_417 : vector<16xf32>
        %min3A_419 = arith.minimumf %scan3A_368, %add3A_418 : vector<16xf32>
        %mul3A_420 = vector.broadcast %squeeze3A_86 : f32 to vector<16xf32>
        %mul3A_421 = arith.mulf %mul3A_420, %get3A_379 : vector<16xf32>
        %add3A_422 = arith.addf %get3A_389, %mul3A_421 : vector<16xf32>
        %mul3A_423 = vector.broadcast %squeeze3A_102 : f32 to vector<16xf32>
        %mul3A_424 = arith.mulf %mul3A_423, %get3A_383 : vector<16xf32>
        %add3A_425 = arith.addf %add3A_422, %mul3A_424 : vector<16xf32>
        %mul3A_426 = vector.broadcast %squeeze3A_118 : f32 to vector<16xf32>
        %mul3A_427 = arith.mulf %mul3A_426, %get3A_387 : vector<16xf32>
        %add3A_428 = arith.addf %add3A_425, %mul3A_427 : vector<16xf32>
        %min3A_429 = arith.minimumf %scan3A_369, %add3A_428 : vector<16xf32>
        %mul3A_430 = vector.broadcast %squeeze3A_88 : f32 to vector<16xf32>
        %mul3A_431 = arith.mulf %mul3A_430, %get3A_379 : vector<16xf32>
        %add3A_432 = arith.addf %get3A_389, %mul3A_431 : vector<16xf32>
        %mul3A_433 = vector.broadcast %squeeze3A_104 : f32 to vector<16xf32>
        %mul3A_434 = arith.mulf %mul3A_433, %get3A_383 : vector<16xf32>
        %add3A_435 = arith.addf %add3A_432, %mul3A_434 : vector<16xf32>
        %mul3A_436 = vector.broadcast %squeeze3A_120 : f32 to vector<16xf32>
        %mul3A_437 = arith.mulf %mul3A_436, %get3A_387 : vector<16xf32>
        %add3A_438 = arith.addf %add3A_435, %mul3A_437 : vector<16xf32>
        %min3A_439 = arith.minimumf %scan3A_370, %add3A_438 : vector<16xf32>
        %mul3A_440 = vector.broadcast %squeeze3A_90 : f32 to vector<16xf32>
        %mul3A_441 = arith.mulf %mul3A_440, %get3A_379 : vector<16xf32>
        %add3A_442 = arith.addf %get3A_389, %mul3A_441 : vector<16xf32>
        %mul3A_443 = vector.broadcast %squeeze3A_106 : f32 to vector<16xf32>
        %mul3A_444 = arith.mulf %mul3A_443, %get3A_383 : vector<16xf32>
        %add3A_445 = arith.addf %add3A_442, %mul3A_444 : vector<16xf32>
        %mul3A_446 = vector.broadcast %squeeze3A_122 : f32 to vector<16xf32>
        %mul3A_447 = arith.mulf %mul3A_446, %get3A_387 : vector<16xf32>
        %add3A_448 = arith.addf %add3A_445, %mul3A_447 : vector<16xf32>
        %min3A_449 = arith.minimumf %scan3A_371, %add3A_448 : vector<16xf32>
        %mul3A_450 = vector.broadcast %squeeze3A_92 : f32 to vector<16xf32>
        %mul3A_451 = arith.mulf %mul3A_450, %get3A_379 : vector<16xf32>
        %add3A_452 = arith.addf %get3A_389, %mul3A_451 : vector<16xf32>
        %mul3A_453 = vector.broadcast %squeeze3A_108 : f32 to vector<16xf32>
        %mul3A_454 = arith.mulf %mul3A_453, %get3A_383 : vector<16xf32>
        %add3A_455 = arith.addf %add3A_452, %mul3A_454 : vector<16xf32>
        %mul3A_456 = vector.broadcast %squeeze3A_124 : f32 to vector<16xf32>
        %mul3A_457 = arith.mulf %mul3A_456, %get3A_387 : vector<16xf32>
        %add3A_458 = arith.addf %add3A_455, %mul3A_457 : vector<16xf32>
        %min3A_459 = arith.minimumf %scan3A_372, %add3A_458 : vector<16xf32>
        %mul3A_460 = vector.broadcast %squeeze3A_94 : f32 to vector<16xf32>
        %mul3A_461 = arith.mulf %mul3A_460, %get3A_379 : vector<16xf32>
        %add3A_462 = arith.addf %get3A_389, %mul3A_461 : vector<16xf32>
        %mul3A_463 = vector.broadcast %squeeze3A_110 : f32 to vector<16xf32>
        %mul3A_464 = arith.mulf %mul3A_463, %get3A_383 : vector<16xf32>
        %add3A_465 = arith.addf %add3A_462, %mul3A_464 : vector<16xf32>
        %mul3A_466 = vector.broadcast %squeeze3A_126 : f32 to vector<16xf32>
        %mul3A_467 = arith.mulf %mul3A_466, %get3A_387 : vector<16xf32>
        %add3A_468 = arith.addf %add3A_465, %mul3A_467 : vector<16xf32>
        %min3A_469 = arith.minimumf %scan3A_373, %add3A_468 : vector<16xf32>
        scf.yield %min3A_399, %min3A_409, %min3A_419, %min3A_429, %min3A_439, %min3A_449, %min3A_459, %min3A_469 : vector<16xf32>, vector<16xf32>, vector<16xf32>, vector<16xf32>, vector<16xf32>, vector<16xf32>, vector<16xf32>, vector<16xf32>
      }
      %scan3A_148 = arith.constant 128 : i32
      %slice3A_149 = vector.extract_strided_slice %mul3A_64 {offsets = [8], sizes = [1], strides = [1]} : vector<16xf32> to vector<1xf32>
      %squeeze3A_150 = vector.extract %slice3A_149[0] : f32 from vector<1xf32>
      %slice3A_151 = vector.extract_strided_slice %mul3A_64 {offsets = [9], sizes = [1], strides = [1]} : vector<16xf32> to vector<1xf32>
      %squeeze3A_152 = vector.extract %slice3A_151[0] : f32 from vector<1xf32>
      %slice3A_153 = vector.extract_strided_slice %mul3A_64 {offsets = [10], sizes = [1], strides = [1]} : vector<16xf32> to vector<1xf32>
      %squeeze3A_154 = vector.extract %slice3A_153[0] : f32 from vector<1xf32>
      %slice3A_155 = vector.extract_strided_slice %mul3A_64 {offsets = [11], sizes = [1], strides = [1]} : vector<16xf32> to vector<1xf32>
      %squeeze3A_156 = vector.extract %slice3A_155[0] : f32 from vector<1xf32>
      %slice3A_157 = vector.extract_strided_slice %mul3A_64 {offsets = [12], sizes = [1], strides = [1]} : vector<16xf32> to vector<1xf32>
      %squeeze3A_158 = vector.extract %slice3A_157[0] : f32 from vector<1xf32>
      %slice3A_159 = vector.extract_strided_slice %mul3A_64 {offsets = [13], sizes = [1], strides = [1]} : vector<16xf32> to vector<1xf32>
      %squeeze3A_160 = vector.extract %slice3A_159[0] : f32 from vector<1xf32>
      %slice3A_161 = vector.extract_strided_slice %mul3A_64 {offsets = [14], sizes = [1], strides = [1]} : vector<16xf32> to vector<1xf32>
      %squeeze3A_162 = vector.extract %slice3A_161[0] : f32 from vector<1xf32>
      %slice3A_163 = vector.extract_strided_slice %mul3A_64 {offsets = [15], sizes = [1], strides = [1]} : vector<16xf32> to vector<1xf32>
      %squeeze3A_164 = vector.extract %slice3A_163[0] : f32 from vector<1xf32>
      %slice3A_165 = vector.extract_strided_slice %mul3A_71 {offsets = [8], sizes = [1], strides = [1]} : vector<16xf32> to vector<1xf32>
      %squeeze3A_166 = vector.extract %slice3A_165[0] : f32 from vector<1xf32>
      %slice3A_167 = vector.extract_strided_slice %mul3A_71 {offsets = [9], sizes = [1], strides = [1]} : vector<16xf32> to vector<1xf32>
      %squeeze3A_168 = vector.extract %slice3A_167[0] : f32 from vector<1xf32>
      %slice3A_169 = vector.extract_strided_slice %mul3A_71 {offsets = [10], sizes = [1], strides = [1]} : vector<16xf32> to vector<1xf32>
      %squeeze3A_170 = vector.extract %slice3A_169[0] : f32 from vector<1xf32>
      %slice3A_171 = vector.extract_strided_slice %mul3A_71 {offsets = [11], sizes = [1], strides = [1]} : vector<16xf32> to vector<1xf32>
      %squeeze3A_172 = vector.extract %slice3A_171[0] : f32 from vector<1xf32>
      %slice3A_173 = vector.extract_strided_slice %mul3A_71 {offsets = [12], sizes = [1], strides = [1]} : vector<16xf32> to vector<1xf32>
      %squeeze3A_174 = vector.extract %slice3A_173[0] : f32 from vector<1xf32>
      %slice3A_175 = vector.extract_strided_slice %mul3A_71 {offsets = [13], sizes = [1], strides = [1]} : vector<16xf32> to vector<1xf32>
      %squeeze3A_176 = vector.extract %slice3A_175[0] : f32 from vector<1xf32>
      %slice3A_177 = vector.extract_strided_slice %mul3A_71 {offsets = [14], sizes = [1], strides = [1]} : vector<16xf32> to vector<1xf32>
      %squeeze3A_178 = vector.extract %slice3A_177[0] : f32 from vector<1xf32>
      %slice3A_179 = vector.extract_strided_slice %mul3A_71 {offsets = [15], sizes = [1], strides = [1]} : vector<16xf32> to vector<1xf32>
      %squeeze3A_180 = vector.extract %slice3A_179[0] : f32 from vector<1xf32>
      %slice3A_181 = vector.extract_strided_slice %mul3A_78 {offsets = [8], sizes = [1], strides = [1]} : vector<16xf32> to vector<1xf32>
      %squeeze3A_182 = vector.extract %slice3A_181[0] : f32 from vector<1xf32>
      %slice3A_183 = vector.extract_strided_slice %mul3A_78 {offsets = [9], sizes = [1], strides = [1]} : vector<16xf32> to vector<1xf32>
      %squeeze3A_184 = vector.extract %slice3A_183[0] : f32 from vector<1xf32>
      %slice3A_185 = vector.extract_strided_slice %mul3A_78 {offsets = [10], sizes = [1], strides = [1]} : vector<16xf32> to vector<1xf32>
      %squeeze3A_186 = vector.extract %slice3A_185[0] : f32 from vector<1xf32>
      %slice3A_187 = vector.extract_strided_slice %mul3A_78 {offsets = [11], sizes = [1], strides = [1]} : vector<16xf32> to vector<1xf32>
      %squeeze3A_188 = vector.extract %slice3A_187[0] : f32 from vector<1xf32>
      %slice3A_189 = vector.extract_strided_slice %mul3A_78 {offsets = [12], sizes = [1], strides = [1]} : vector<16xf32> to vector<1xf32>
      %squeeze3A_190 = vector.extract %slice3A_189[0] : f32 from vector<1xf32>
      %slice3A_191 = vector.extract_strided_slice %mul3A_78 {offsets = [13], sizes = [1], strides = [1]} : vector<16xf32> to vector<1xf32>
      %squeeze3A_192 = vector.extract %slice3A_191[0] : f32 from vector<1xf32>
      %slice3A_193 = vector.extract_strided_slice %mul3A_78 {offsets = [14], sizes = [1], strides = [1]} : vector<16xf32> to vector<1xf32>
      %squeeze3A_194 = vector.extract %slice3A_193[0] : f32 from vector<1xf32>
      %slice3A_195 = vector.extract_strided_slice %mul3A_78 {offsets = [15], sizes = [1], strides = [1]} : vector<16xf32> to vector<1xf32>
      %squeeze3A_196 = vector.extract %slice3A_195[0] : f32 from vector<1xf32>
      %broadcast_in_dim3A_197 = arith.constant 0x7F800000 : f32
      %broadcast_in_dim3A_198 = vector.broadcast %broadcast_in_dim3A_197 : f32 to vector<16xf32>
      %broadcast_in_dim3A_199 = arith.constant 0x7F800000 : f32
      %broadcast_in_dim3A_200 = vector.broadcast %broadcast_in_dim3A_199 : f32 to vector<16xf32>
      %broadcast_in_dim3A_201 = arith.constant 0x7F800000 : f32
      %broadcast_in_dim3A_202 = vector.broadcast %broadcast_in_dim3A_201 : f32 to vector<16xf32>
      %broadcast_in_dim3A_203 = arith.constant 0x7F800000 : f32
      %broadcast_in_dim3A_204 = vector.broadcast %broadcast_in_dim3A_203 : f32 to vector<16xf32>
      %broadcast_in_dim3A_205 = arith.constant 0x7F800000 : f32
      %broadcast_in_dim3A_206 = vector.broadcast %broadcast_in_dim3A_205 : f32 to vector<16xf32>
      %broadcast_in_dim3A_207 = arith.constant 0x7F800000 : f32
      %broadcast_in_dim3A_208 = vector.broadcast %broadcast_in_dim3A_207 : f32 to vector<16xf32>
      %broadcast_in_dim3A_209 = arith.constant 0x7F800000 : f32
      %broadcast_in_dim3A_210 = vector.broadcast %broadcast_in_dim3A_209 : f32 to vector<16xf32>
      %broadcast_in_dim3A_211 = arith.constant 0x7F800000 : f32
      %broadcast_in_dim3A_212 = vector.broadcast %broadcast_in_dim3A_211 : f32 to vector<16xf32>
      %scan3A_213 = arith.constant 0 : i32
      %scan3A_214 = arith.constant 128 : i32
      %scan3A_215 = arith.addi %scan3A_213, %scan3A_214 : i32
      %scan3A_216 = arith.constant 1 : i32
      %scan3A_217:8 = scf.for %scan3A_365 = %scan3A_213 to %scan3A_215 step %scan3A_216 iter_args(%scan3A_366 = %broadcast_in_dim3A_198, %scan3A_367 = %broadcast_in_dim3A_200, %scan3A_368 = %broadcast_in_dim3A_202, %scan3A_369 = %broadcast_in_dim3A_204, %scan3A_370 = %broadcast_in_dim3A_206, %scan3A_371 = %broadcast_in_dim3A_208, %scan3A_372 = %broadcast_in_dim3A_210, %scan3A_373 = %broadcast_in_dim3A_212) -> (vector<16xf32>, vector<16xf32>, vector<16xf32>, vector<16xf32>, vector<16xf32>, vector<16xf32>, vector<16xf32>, vector<16xf32>)  : i32 {
        %mul3A_374 = arith.constant 16 : i32
        %mul3A_375 = arith.muli %scan3A_365, %mul3A_374 : i32
        %get3A_376 = arith.constant 0 : i32
        %get3A_377 = arith.index_cast %get3A_376 : i32 to index
        %get3A_378 = arith.index_cast %mul3A_375 : i32 to index
        %get3A_379 = tpu.vector_load %arg5[%get3A_377, %get3A_378] {strides = array<i32>} : memref<3x2048xf32, #tpu.memory_space<vmem>>, vector<16xf32>,
        %get3A_380 = arith.constant 1 : i32
        %get3A_381 = arith.index_cast %get3A_380 : i32 to index
        %get3A_382 = arith.index_cast %mul3A_375 : i32 to index
        %get3A_383 = tpu.vector_load %arg5[%get3A_381, %get3A_382] {strides = array<i32>} : memref<3x2048xf32, #tpu.memory_space<vmem>>, vector<16xf32>,
        %get3A_384 = arith.constant 2 : i32
        %get3A_385 = arith.index_cast %get3A_384 : i32 to index
        %get3A_386 = arith.index_cast %mul3A_375 : i32 to index
        %get3A_387 = tpu.vector_load %arg5[%get3A_385, %get3A_386] {strides = array<i32>} : memref<3x2048xf32, #tpu.memory_space<vmem>>, vector<16xf32>,
        %get3A_388 = arith.index_cast %mul3A_375 : i32 to index
        %get3A_389 = tpu.vector_load %arg7[%get3A_388] {strides = array<i32>} : memref<2048xf32, #tpu.memory_space<vmem>>, vector<16xf32>,
        %mul3A_390 = vector.broadcast %squeeze3A_150 : f32 to vector<16xf32>
        %mul3A_391 = arith.mulf %mul3A_390, %get3A_379 : vector<16xf32>
        %add3A_392 = arith.addf %get3A_389, %mul3A_391 : vector<16xf32>
        %mul3A_393 = vector.broadcast %squeeze3A_166 : f32 to vector<16xf32>
        %mul3A_394 = arith.mulf %mul3A_393, %get3A_383 : vector<16xf32>
        %add3A_395 = arith.addf %add3A_392, %mul3A_394 : vector<16xf32>
        %mul3A_396 = vector.broadcast %squeeze3A_182 : f32 to vector<16xf32>
        %mul3A_397 = arith.mulf %mul3A_396, %get3A_387 : vector<16xf32>
        %add3A_398 = arith.addf %add3A_395, %mul3A_397 : vector<16xf32>
        %min3A_399 = arith.minimumf %scan3A_366, %add3A_398 : vector<16xf32>
        %mul3A_400 = vector.broadcast %squeeze3A_152 : f32 to vector<16xf32>
        %mul3A_401 = arith.mulf %mul3A_400, %get3A_379 : vector<16xf32>
        %add3A_402 = arith.addf %get3A_389, %mul3A_401 : vector<16xf32>
        %mul3A_403 = vector.broadcast %squeeze3A_168 : f32 to vector<16xf32>
        %mul3A_404 = arith.mulf %mul3A_403, %get3A_383 : vector<16xf32>
        %add3A_405 = arith.addf %add3A_402, %mul3A_404 : vector<16xf32>
        %mul3A_406 = vector.broadcast %squeeze3A_184 : f32 to vector<16xf32>
        %mul3A_407 = arith.mulf %mul3A_406, %get3A_387 : vector<16xf32>
        %add3A_408 = arith.addf %add3A_405, %mul3A_407 : vector<16xf32>
        %min3A_409 = arith.minimumf %scan3A_367, %add3A_408 : vector<16xf32>
        %mul3A_410 = vector.broadcast %squeeze3A_154 : f32 to vector<16xf32>
        %mul3A_411 = arith.mulf %mul3A_410, %get3A_379 : vector<16xf32>
        %add3A_412 = arith.addf %get3A_389, %mul3A_411 : vector<16xf32>
        %mul3A_413 = vector.broadcast %squeeze3A_170 : f32 to vector<16xf32>
        %mul3A_414 = arith.mulf %mul3A_413, %get3A_383 : vector<16xf32>
        %add3A_415 = arith.addf %add3A_412, %mul3A_414 : vector<16xf32>
        %mul3A_416 = vector.broadcast %squeeze3A_186 : f32 to vector<16xf32>
        %mul3A_417 = arith.mulf %mul3A_416, %get3A_387 : vector<16xf32>
        %add3A_418 = arith.addf %add3A_415, %mul3A_417 : vector<16xf32>
        %min3A_419 = arith.minimumf %scan3A_368, %add3A_418 : vector<16xf32>
        %mul3A_420 = vector.broadcast %squeeze3A_156 : f32 to vector<16xf32>
        %mul3A_421 = arith.mulf %mul3A_420, %get3A_379 : vector<16xf32>
        %add3A_422 = arith.addf %get3A_389, %mul3A_421 : vector<16xf32>
        %mul3A_423 = vector.broadcast %squeeze3A_172 : f32 to vector<16xf32>
        %mul3A_424 = arith.mulf %mul3A_423, %get3A_383 : vector<16xf32>
        %add3A_425 = arith.addf %add3A_422, %mul3A_424 : vector<16xf32>
        %mul3A_426 = vector.broadcast %squeeze3A_188 : f32 to vector<16xf32>
        %mul3A_427 = arith.mulf %mul3A_426, %get3A_387 : vector<16xf32>
        %add3A_428 = arith.addf %add3A_425, %mul3A_427 : vector<16xf32>
        %min3A_429 = arith.minimumf %scan3A_369, %add3A_428 : vector<16xf32>
        %mul3A_430 = vector.broadcast %squeeze3A_158 : f32 to vector<16xf32>
        %mul3A_431 = arith.mulf %mul3A_430, %get3A_379 : vector<16xf32>
        %add3A_432 = arith.addf %get3A_389, %mul3A_431 : vector<16xf32>
        %mul3A_433 = vector.broadcast %squeeze3A_174 : f32 to vector<16xf32>
        %mul3A_434 = arith.mulf %mul3A_433, %get3A_383 : vector<16xf32>
        %add3A_435 = arith.addf %add3A_432, %mul3A_434 : vector<16xf32>
        %mul3A_436 = vector.broadcast %squeeze3A_190 : f32 to vector<16xf32>
        %mul3A_437 = arith.mulf %mul3A_436, %get3A_387 : vector<16xf32>
        %add3A_438 = arith.addf %add3A_435, %mul3A_437 : vector<16xf32>
        %min3A_439 = arith.minimumf %scan3A_370, %add3A_438 : vector<16xf32>
        %mul3A_440 = vector.broadcast %squeeze3A_160 : f32 to vector<16xf32>
        %mul3A_441 = arith.mulf %mul3A_440, %get3A_379 : vector<16xf32>
        %add3A_442 = arith.addf %get3A_389, %mul3A_441 : vector<16xf32>
        %mul3A_443 = vector.broadcast %squeeze3A_176 : f32 to vector<16xf32>
        %mul3A_444 = arith.mulf %mul3A_443, %get3A_383 : vector<16xf32>
        %add3A_445 = arith.addf %add3A_442, %mul3A_444 : vector<16xf32>
        %mul3A_446 = vector.broadcast %squeeze3A_192 : f32 to vector<16xf32>
        %mul3A_447 = arith.mulf %mul3A_446, %get3A_387 : vector<16xf32>
        %add3A_448 = arith.addf %add3A_445, %mul3A_447 : vector<16xf32>
        %min3A_449 = arith.minimumf %scan3A_371, %add3A_448 : vector<16xf32>
        %mul3A_450 = vector.broadcast %squeeze3A_162 : f32 to vector<16xf32>
        %mul3A_451 = arith.mulf %mul3A_450, %get3A_379 : vector<16xf32>
        %add3A_452 = arith.addf %get3A_389, %mul3A_451 : vector<16xf32>
        %mul3A_453 = vector.broadcast %squeeze3A_178 : f32 to vector<16xf32>
        %mul3A_454 = arith.mulf %mul3A_453, %get3A_383 : vector<16xf32>
        %add3A_455 = arith.addf %add3A_452, %mul3A_454 : vector<16xf32>
        %mul3A_456 = vector.broadcast %squeeze3A_194 : f32 to vector<16xf32>
        %mul3A_457 = arith.mulf %mul3A_456, %get3A_387 : vector<16xf32>
        %add3A_458 = arith.addf %add3A_455, %mul3A_457 : vector<16xf32>
        %min3A_459 = arith.minimumf %scan3A_372, %add3A_458 : vector<16xf32>
        %mul3A_460 = vector.broadcast %squeeze3A_164 : f32 to vector<16xf32>
        %mul3A_461 = arith.mulf %mul3A_460, %get3A_379 : vector<16xf32>
        %add3A_462 = arith.addf %get3A_389, %mul3A_461 : vector<16xf32>
        %mul3A_463 = vector.broadcast %squeeze3A_180 : f32 to vector<16xf32>
        %mul3A_464 = arith.mulf %mul3A_463, %get3A_383 : vector<16xf32>
        %add3A_465 = arith.addf %add3A_462, %mul3A_464 : vector<16xf32>
        %mul3A_466 = vector.broadcast %squeeze3A_196 : f32 to vector<16xf32>
        %mul3A_467 = arith.mulf %mul3A_466, %get3A_387 : vector<16xf32>
        %add3A_468 = arith.addf %add3A_465, %mul3A_467 : vector<16xf32>
        %min3A_469 = arith.minimumf %scan3A_373, %add3A_468 : vector<16xf32>
        scf.yield %min3A_399, %min3A_409, %min3A_419, %min3A_429, %min3A_439, %min3A_449, %min3A_459, %min3A_469 : vector<16xf32>, vector<16xf32>, vector<16xf32>, vector<16xf32>, vector<16xf32>, vector<16xf32>, vector<16xf32>, vector<16xf32>
      }
      %scan3A_218 = arith.constant 128 : i32
      %mul3A_219 = arith.constant 16 : i32
      %mul3A_220 = vector.broadcast %mul3A_219 : i32 to vector<16xi32>
      %mul3A_221 = arith.muli %iota3A_46, %mul3A_220 : vector<16xi32>
      %add3A_222 = arith.constant 0 : i32
      %add3A_223 = vector.broadcast %add3A_222 : i32 to vector<16xi32>
      %add3A_224 = arith.addi %mul3A_221, %add3A_223 : vector<16xi32>
      tpu.vector_store_idx %arg10[%add3A_224], %scan3A_147#0 : memref<256xf32, #tpu.memory_space<vmem>>[vector<16xi32>], vector<16xf32>,
      %mul3A_225 = arith.constant 16 : i32
      %mul3A_226 = vector.broadcast %mul3A_225 : i32 to vector<16xi32>
      %mul3A_227 = arith.muli %iota3A_46, %mul3A_226 : vector<16xi32>
      %add3A_228 = arith.constant 1 : i32
      %add3A_229 = vector.broadcast %add3A_228 : i32 to vector<16xi32>
      %add3A_230 = arith.addi %mul3A_227, %add3A_229 : vector<16xi32>
      tpu.vector_store_idx %arg10[%add3A_230], %scan3A_147#1 : memref<256xf32, #tpu.memory_space<vmem>>[vector<16xi32>], vector<16xf32>,
      %mul3A_231 = arith.constant 16 : i32
      %mul3A_232 = vector.broadcast %mul3A_231 : i32 to vector<16xi32>
      %mul3A_233 = arith.muli %iota3A_46, %mul3A_232 : vector<16xi32>
      %add3A_234 = arith.constant 2 : i32
      %add3A_235 = vector.broadcast %add3A_234 : i32 to vector<16xi32>
      %add3A_236 = arith.addi %mul3A_233, %add3A_235 : vector<16xi32>
      tpu.vector_store_idx %arg10[%add3A_236], %scan3A_147#2 : memref<256xf32, #tpu.memory_space<vmem>>[vector<16xi32>], vector<16xf32>,
      %mul3A_237 = arith.constant 16 : i32
      %mul3A_238 = vector.broadcast %mul3A_237 : i32 to vector<16xi32>
      %mul3A_239 = arith.muli %iota3A_46, %mul3A_238 : vector<16xi32>
      %add3A_240 = arith.constant 3 : i32
      %add3A_241 = vector.broadcast %add3A_240 : i32 to vector<16xi32>
      %add3A_242 = arith.addi %mul3A_239, %add3A_241 : vector<16xi32>
      tpu.vector_store_idx %arg10[%add3A_242], %scan3A_147#3 : memref<256xf32, #tpu.memory_space<vmem>>[vector<16xi32>], vector<16xf32>,
      %mul3A_243 = arith.constant 16 : i32
      %mul3A_244 = vector.broadcast %mul3A_243 : i32 to vector<16xi32>
      %mul3A_245 = arith.muli %iota3A_46, %mul3A_244 : vector<16xi32>
      %add3A_246 = arith.constant 4 : i32
      %add3A_247 = vector.broadcast %add3A_246 : i32 to vector<16xi32>
      %add3A_248 = arith.addi %mul3A_245, %add3A_247 : vector<16xi32>
      tpu.vector_store_idx %arg10[%add3A_248], %scan3A_147#4 : memref<256xf32, #tpu.memory_space<vmem>>[vector<16xi32>], vector<16xf32>,
      %mul3A_249 = arith.constant 16 : i32
      %mul3A_250 = vector.broadcast %mul3A_249 : i32 to vector<16xi32>
      %mul3A_251 = arith.muli %iota3A_46, %mul3A_250 : vector<16xi32>
      %add3A_252 = arith.constant 5 : i32
      %add3A_253 = vector.broadcast %add3A_252 : i32 to vector<16xi32>
      %add3A_254 = arith.addi %mul3A_251, %add3A_253 : vector<16xi32>
      tpu.vector_store_idx %arg10[%add3A_254], %scan3A_147#5 : memref<256xf32, #tpu.memory_space<vmem>>[vector<16xi32>], vector<16xf32>,
      %mul3A_255 = arith.constant 16 : i32
      %mul3A_256 = vector.broadcast %mul3A_255 : i32 to vector<16xi32>
      %mul3A_257 = arith.muli %iota3A_46, %mul3A_256 : vector<16xi32>
      %add3A_258 = arith.constant 6 : i32
      %add3A_259 = vector.broadcast %add3A_258 : i32 to vector<16xi32>
      %add3A_260 = arith.addi %mul3A_257, %add3A_259 : vector<16xi32>
      tpu.vector_store_idx %arg10[%add3A_260], %scan3A_147#6 : memref<256xf32, #tpu.memory_space<vmem>>[vector<16xi32>], vector<16xf32>,
      %mul3A_261 = arith.constant 16 : i32
      %mul3A_262 = vector.broadcast %mul3A_261 : i32 to vector<16xi32>
      %mul3A_263 = arith.muli %iota3A_46, %mul3A_262 : vector<16xi32>
      %add3A_264 = arith.constant 7 : i32
      %add3A_265 = vector.broadcast %add3A_264 : i32 to vector<16xi32>
      %add3A_266 = arith.addi %mul3A_263, %add3A_265 : vector<16xi32>
      tpu.vector_store_idx %arg10[%add3A_266], %scan3A_147#7 : memref<256xf32, #tpu.memory_space<vmem>>[vector<16xi32>], vector<16xf32>,
      %mul3A_267 = arith.constant 16 : i32
      %mul3A_268 = vector.broadcast %mul3A_267 : i32 to vector<16xi32>
      %mul3A_269 = arith.muli %iota3A_46, %mul3A_268 : vector<16xi32>
      %add3A_270 = arith.constant 8 : i32
      %add3A_271 = vector.broadcast %add3A_270 : i32 to vector<16xi32>
      %add3A_272 = arith.addi %mul3A_269, %add3A_271 : vector<16xi32>
      tpu.vector_store_idx %arg10[%add3A_272], %scan3A_217#0 : memref<256xf32, #tpu.memory_space<vmem>>[vector<16xi32>], vector<16xf32>,
      %mul3A_273 = arith.constant 16 : i32
      %mul3A_274 = vector.broadcast %mul3A_273 : i32 to vector<16xi32>
      %mul3A_275 = arith.muli %iota3A_46, %mul3A_274 : vector<16xi32>
      %add3A_276 = arith.constant 9 : i32
      %add3A_277 = vector.broadcast %add3A_276 : i32 to vector<16xi32>
      %add3A_278 = arith.addi %mul3A_275, %add3A_277 : vector<16xi32>
      tpu.vector_store_idx %arg10[%add3A_278], %scan3A_217#1 : memref<256xf32, #tpu.memory_space<vmem>>[vector<16xi32>], vector<16xf32>,
      %mul3A_279 = arith.constant 16 : i32
      %mul3A_280 = vector.broadcast %mul3A_279 : i32 to vector<16xi32>
      %mul3A_281 = arith.muli %iota3A_46, %mul3A_280 : vector<16xi32>
      %add3A_282 = arith.constant 10 : i32
      %add3A_283 = vector.broadcast %add3A_282 : i32 to vector<16xi32>
      %add3A_284 = arith.addi %mul3A_281, %add3A_283 : vector<16xi32>
      tpu.vector_store_idx %arg10[%add3A_284], %scan3A_217#2 : memref<256xf32, #tpu.memory_space<vmem>>[vector<16xi32>], vector<16xf32>,
      %mul3A_285 = arith.constant 16 : i32
      %mul3A_286 = vector.broadcast %mul3A_285 : i32 to vector<16xi32>
      %mul3A_287 = arith.muli %iota3A_46, %mul3A_286 : vector<16xi32>
      %add3A_288 = arith.constant 11 : i32
      %add3A_289 = vector.broadcast %add3A_288 : i32 to vector<16xi32>
      %add3A_290 = arith.addi %mul3A_287, %add3A_289 : vector<16xi32>
      tpu.vector_store_idx %arg10[%add3A_290], %scan3A_217#3 : memref<256xf32, #tpu.memory_space<vmem>>[vector<16xi32>], vector<16xf32>,
      %mul3A_291 = arith.constant 16 : i32
      %mul3A_292 = vector.broadcast %mul3A_291 : i32 to vector<16xi32>
      %mul3A_293 = arith.muli %iota3A_46, %mul3A_292 : vector<16xi32>
      %add3A_294 = arith.constant 12 : i32
      %add3A_295 = vector.broadcast %add3A_294 : i32 to vector<16xi32>
      %add3A_296 = arith.addi %mul3A_293, %add3A_295 : vector<16xi32>
      tpu.vector_store_idx %arg10[%add3A_296], %scan3A_217#4 : memref<256xf32, #tpu.memory_space<vmem>>[vector<16xi32>], vector<16xf32>,
      %mul3A_297 = arith.constant 16 : i32
      %mul3A_298 = vector.broadcast %mul3A_297 : i32 to vector<16xi32>
      %mul3A_299 = arith.muli %iota3A_46, %mul3A_298 : vector<16xi32>
      %add3A_300 = arith.constant 13 : i32
      %add3A_301 = vector.broadcast %add3A_300 : i32 to vector<16xi32>
      %add3A_302 = arith.addi %mul3A_299, %add3A_301 : vector<16xi32>
      tpu.vector_store_idx %arg10[%add3A_302], %scan3A_217#5 : memref<256xf32, #tpu.memory_space<vmem>>[vector<16xi32>], vector<16xf32>,
      %mul3A_303 = arith.constant 16 : i32
      %mul3A_304 = vector.broadcast %mul3A_303 : i32 to vector<16xi32>
      %mul3A_305 = arith.muli %iota3A_46, %mul3A_304 : vector<16xi32>
      %add3A_306 = arith.constant 14 : i32
      %add3A_307 = vector.broadcast %add3A_306 : i32 to vector<16xi32>
      %add3A_308 = arith.addi %mul3A_305, %add3A_307 : vector<16xi32>
      tpu.vector_store_idx %arg10[%add3A_308], %scan3A_217#6 : memref<256xf32, #tpu.memory_space<vmem>>[vector<16xi32>], vector<16xf32>,
      %mul3A_309 = arith.constant 16 : i32
      %mul3A_310 = vector.broadcast %mul3A_309 : i32 to vector<16xi32>
      %mul3A_311 = arith.muli %iota3A_46, %mul3A_310 : vector<16xi32>
      %add3A_312 = arith.constant 15 : i32
      %add3A_313 = vector.broadcast %add3A_312 : i32 to vector<16xi32>
      %add3A_314 = arith.addi %mul3A_311, %add3A_313 : vector<16xi32>
      tpu.vector_store_idx %arg10[%add3A_314], %scan3A_217#7 : memref<256xf32, #tpu.memory_space<vmem>>[vector<16xi32>], vector<16xf32>,
      %get3A_315 = arith.constant 0 : index
      %get3A_316 = tpu.vector_load %arg10[%get3A_315] {strides = array<i32>} : memref<256xf32, #tpu.memory_space<vmem>>, vector<16xf32>,
      %get3A_317 = arith.constant 16 : index
      %get3A_318 = tpu.vector_load %arg10[%get3A_317] {strides = array<i32>} : memref<256xf32, #tpu.memory_space<vmem>>, vector<16xf32>,
      %min3A = arith.minimumf %get3A_316, %get3A_318 : vector<16xf32>
      %get3A_319 = arith.constant 32 : index
      %get3A_320 = tpu.vector_load %arg10[%get3A_319] {strides = array<i32>} : memref<256xf32, #tpu.memory_space<vmem>>, vector<16xf32>,
      %min3A_321 = arith.minimumf %min3A, %get3A_320 : vector<16xf32>
      %get3A_322 = arith.constant 48 : index
      %get3A_323 = tpu.vector_load %arg10[%get3A_322] {strides = array<i32>} : memref<256xf32, #tpu.memory_space<vmem>>, vector<16xf32>,
      %min3A_324 = arith.minimumf %min3A_321, %get3A_323 : vector<16xf32>
      %get3A_325 = arith.constant 64 : index
      %get3A_326 = tpu.vector_load %arg10[%get3A_325] {strides = array<i32>} : memref<256xf32, #tpu.memory_space<vmem>>, vector<16xf32>,
      %min3A_327 = arith.minimumf %min3A_324, %get3A_326 : vector<16xf32>
      %get3A_328 = arith.constant 80 : index
      %get3A_329 = tpu.vector_load %arg10[%get3A_328] {strides = array<i32>} : memref<256xf32, #tpu.memory_space<vmem>>, vector<16xf32>,
      %min3A_330 = arith.minimumf %min3A_327, %get3A_329 : vector<16xf32>
      %get3A_331 = arith.constant 96 : index
      %get3A_332 = tpu.vector_load %arg10[%get3A_331] {strides = array<i32>} : memref<256xf32, #tpu.memory_space<vmem>>, vector<16xf32>,
      %min3A_333 = arith.minimumf %min3A_330, %get3A_332 : vector<16xf32>
      %get3A_334 = arith.constant 112 : index
      %get3A_335 = tpu.vector_load %arg10[%get3A_334] {strides = array<i32>} : memref<256xf32, #tpu.memory_space<vmem>>, vector<16xf32>,
      %min3A_336 = arith.minimumf %min3A_333, %get3A_335 : vector<16xf32>
      %get3A_337 = arith.constant 128 : index
      %get3A_338 = tpu.vector_load %arg10[%get3A_337] {strides = array<i32>} : memref<256xf32, #tpu.memory_space<vmem>>, vector<16xf32>,
      %min3A_339 = arith.minimumf %min3A_336, %get3A_338 : vector<16xf32>
      %get3A_340 = arith.constant 144 : index
      %get3A_341 = tpu.vector_load %arg10[%get3A_340] {strides = array<i32>} : memref<256xf32, #tpu.memory_space<vmem>>, vector<16xf32>,
      %min3A_342 = arith.minimumf %min3A_339, %get3A_341 : vector<16xf32>
      %get3A_343 = arith.constant 160 : index
      %get3A_344 = tpu.vector_load %arg10[%get3A_343] {strides = array<i32>} : memref<256xf32, #tpu.memory_space<vmem>>, vector<16xf32>,
      %min3A_345 = arith.minimumf %min3A_342, %get3A_344 : vector<16xf32>
      %get3A_346 = arith.constant 176 : index
      %get3A_347 = tpu.vector_load %arg10[%get3A_346] {strides = array<i32>} : memref<256xf32, #tpu.memory_space<vmem>>, vector<16xf32>,
      %min3A_348 = arith.minimumf %min3A_345, %get3A_347 : vector<16xf32>
      %get3A_349 = arith.constant 192 : index
      %get3A_350 = tpu.vector_load %arg10[%get3A_349] {strides = array<i32>} : memref<256xf32, #tpu.memory_space<vmem>>, vector<16xf32>,
      %min3A_351 = arith.minimumf %min3A_348, %get3A_350 : vector<16xf32>
      %get3A_352 = arith.constant 208 : index
      %get3A_353 = tpu.vector_load %arg10[%get3A_352] {strides = array<i32>} : memref<256xf32, #tpu.memory_space<vmem>>, vector<16xf32>,
      %min3A_354 = arith.minimumf %min3A_351, %get3A_353 : vector<16xf32>
      %get3A_355 = arith.constant 224 : index
      %get3A_356 = tpu.vector_load %arg10[%get3A_355] {strides = array<i32>} : memref<256xf32, #tpu.memory_space<vmem>>, vector<16xf32>,
      %min3A_357 = arith.minimumf %min3A_354, %get3A_356 : vector<16xf32>
      %get3A_358 = arith.constant 240 : index
      %get3A_359 = tpu.vector_load %arg10[%get3A_358] {strides = array<i32>} : memref<256xf32, #tpu.memory_space<vmem>>, vector<16xf32>,
      %min3A_360 = arith.minimumf %min3A_357, %get3A_359 : vector<16xf32>
      %add3A_361 = arith.addf %get3A_80, %min3A_360 : vector<16xf32>
      %max3A = arith.constant 0.000000e+00 : f32
      %max3A_362 = vector.broadcast %max3A : f32 to vector<16xf32>
      %max3A_363 = arith.maximumf %add3A_361, %max3A_362 : vector<16xf32>
      %add3A_364 = arith.addf %scan3A_55, %max3A_363 : vector<16xf32>
      scf.yield %add3A_364 : vector<16xf32>
    }
    %scan3A_52 = arith.constant 8 : i32
    %swap3A = arith.constant 0 : index
    %swap3A_53 = tpu.vector_load %arg9[%swap3A] {strides = array<i32>} : memref<16xf32, #tpu.memory_space<vmem>>, vector<16xf32>,
    tpu.vector_store %arg9[%swap3A], %scan3A_51 {strides = array<i32>} : memref<16xf32, #tpu.memory_space<vmem>>, vector<16xf32>,
    "tpu.region"() ({
      %run_scoped3A = tpu.sem_alloc : memref<!tpu.dma_semaphore, #tpu.memory_space<semaphore_mem>>
      %dma_start3A = arith.constant 0 : i32
      %dma_start3A_54 = tpu.memref_slice %arg4[%add3A, %dma_start3A] : memref<16x16xf32, #tpu.memory_space<hbm>> -> memref<1x16xf32, #tpu.memory_space<hbm>>
      %dma_start3A_55 = tpu.memref_squeeze %dma_start3A_54 : memref<1x16xf32, #tpu.memory_space<hbm>> -> memref<16xf32, #tpu.memory_space<hbm>>
      %dma_start3A_56 = arith.constant 0 : i32
      %dma_start3A_57 = tpu.memref_slice %arg4[%add3A, %dma_start3A_56] : memref<16x16xf32, #tpu.memory_space<hbm>> -> memref<1x16xf32, #tpu.memory_space<hbm>>
      %dma_start3A_58 = tpu.memref_squeeze %dma_start3A_57 : memref<1x16xf32, #tpu.memory_space<hbm>> -> memref<16xf32, #tpu.memory_space<hbm>>
      tpu.enqueue_dma source(%arg9 : memref<16xf32, #tpu.memory_space<vmem>>) target(%dma_start3A_58 : memref<16xf32, #tpu.memory_space<hbm>>) target_semaphore(%run_scoped3A : memref<!tpu.dma_semaphore, #tpu.memory_space<semaphore_mem>>)
      %dma_wait3A = arith.constant 0 : i32
      %dma_wait3A_59 = tpu.memref_slice %arg4[%add3A, %dma_wait3A] : memref<16x16xf32, #tpu.memory_space<hbm>> -> memref<1x16xf32, #tpu.memory_space<hbm>>
      %dma_wait3A_60 = tpu.memref_squeeze %dma_wait3A_59 : memref<1x16xf32, #tpu.memory_space<hbm>> -> memref<16xf32, #tpu.memory_space<hbm>>
      %dma_wait3A_61 = arith.constant 0 : i32
      %dma_wait3A_62 = tpu.memref_slice %arg4[%add3A, %dma_wait3A_61] : memref<16x16xf32, #tpu.memory_space<hbm>> -> memref<1x16xf32, #tpu.memory_space<hbm>>
      %dma_wait3A_63 = tpu.memref_squeeze %dma_wait3A_62 : memref<1x16xf32, #tpu.memory_space<hbm>> -> memref<16xf32, #tpu.memory_space<hbm>>
      tpu.wait_dma2 semaphore(%run_scoped3A : memref<!tpu.dma_semaphore, #tpu.memory_space<semaphore_mem>>) src(%arg9 : memref<16xf32, #tpu.memory_space<vmem>>) dst(%dma_wait3A_63 : memref<16xf32, #tpu.memory_space<hbm>>)
      tpu.yield
    }) : () -> ()
    return
  }
}

module attributes {stable_mosaic.version = 14 : i64} {
  func.func @body(%arg0: i32, %arg1: memref<1x2048x3xf32, #tpu.memory_space<vmem>>, %arg2: memref<1x3x2048xf32, #tpu.memory_space<vmem>>, %arg3: memref<7x2xf32, #tpu.memory_space<smem>>) attributes {dimension_semantics = [#tpu.dimension_semantics<arbitrary>], iteration_bounds = array<i64: 7>, scalar_prefetch = 0 : i64, scratch_operands = 0 : i64, tpu.core_type = #tpu.core_type<tc>, window_params = [{transform_indices = @transform_0, window_bounds = array<i64: 1, 2048, 3>}, {transform_indices = @transform_1, window_bounds = array<i64: 1, 3, 2048>}, {transform_indices = @transform_2, window_bounds = array<i64: 7, 2>}]} {
    %get3A = arith.constant 0 : index
    %get3A_0 = arith.constant 0 : index
    %get3A_1 = arith.constant 0 : index
    %get3A_2 = vector.load %arg1[%get3A, %get3A_0, %get3A_1] : memref<1x2048x3xf32, #tpu.memory_space<vmem>>, vector<1x2048x3xf32>
    %get3A_3 = vector.shape_cast %get3A_2 : vector<1x2048x3xf32> to vector<2048x3xf32>
    %get3A_4 = arith.constant 0 : index
    %get3A_5 = arith.constant 0 : index
    %get3A_6 = arith.constant 0 : index
    %get3A_7 = vector.load %arg2[%get3A_4, %get3A_5, %get3A_6] : memref<1x3x2048xf32, #tpu.memory_space<vmem>>, vector<1x3x2048xf32>
    %get3A_8 = vector.shape_cast %get3A_7 : vector<1x3x2048xf32> to vector<3x2048xf32>
    %mul3A = arith.mulf %get3A_3, %get3A_3 : vector<2048x3xf32>
    %reduce_sum3A = arith.constant dense<0.000000e+00> : vector<2048xf32>
    %reduce_sum3A_9 = vector.multi_reduction <add>, %mul3A, %reduce_sum3A [1] : vector<2048x3xf32> to vector<2048xf32>
    %broadcast_in_dim3A = vector.shape_cast %reduce_sum3A_9 : vector<2048xf32> to vector<2048x1xf32>
    %slice3A = vector.extract_strided_slice %get3A_8 {offsets = [0, 0], sizes = [1, 2048], strides = [1, 1]} : vector<3x2048xf32> to vector<1x2048xf32>
    %slice3A_10 = vector.extract_strided_slice %get3A_8 {offsets = [1, 0], sizes = [1, 2048], strides = [1, 1]} : vector<3x2048xf32> to vector<1x2048xf32>
    %slice3A_11 = vector.extract_strided_slice %get3A_8 {offsets = [2, 0], sizes = [1, 2048], strides = [1, 1]} : vector<3x2048xf32> to vector<1x2048xf32>
    %mul3A_12 = arith.mulf %slice3A, %slice3A : vector<1x2048xf32>
    %mul3A_13 = arith.mulf %slice3A_10, %slice3A_10 : vector<1x2048xf32>
    %add3A = arith.addf %mul3A_12, %mul3A_13 : vector<1x2048xf32>
    %mul3A_14 = arith.mulf %slice3A_11, %slice3A_11 : vector<1x2048xf32>
    %add3A_15 = arith.addf %add3A, %mul3A_14 : vector<1x2048xf32>
    %mul3A_16 = arith.constant 2.500000e-01 : f32
    %mul3A_17 = vector.broadcast %mul3A_16 : f32 to vector<1x2048xf32>
    %mul3A_18 = arith.mulf %mul3A_17, %add3A_15 : vector<1x2048xf32>
    %convert_element_type3A = arith.truncf %get3A_8 : vector<3x2048xf32> to vector<3x2048xbf16>
    %broadcast_in_dim3A_19 = arith.constant 0x7F800000 : f32
    %broadcast_in_dim3A_20 = vector.broadcast %broadcast_in_dim3A_19 : f32 to vector<1x2048xf32>
    %slice3A_21 = vector.extract_strided_slice %get3A_3 {offsets = [0, 0], sizes = [512, 3], strides = [1, 1]} : vector<2048x3xf32> to vector<512x3xf32>
    %convert_element_type3A_22 = arith.truncf %slice3A_21 : vector<512x3xf32> to vector<512x3xbf16>
    %dot_general3A = arith.constant dense<0.000000e+00> : vector<512x2048xf32>
    %dot_general3A_23 = tpu.matmul %convert_element_type3A_22, %convert_element_type3A, %dot_general3A {dimension_numbers = #tpu.dot_dimension_numbers<[1], [0], [0], [1], [0, 0, 1, 1], [], []>, transpose_lhs_hint = false} : vector<512x3xbf16>, vector<3x2048xbf16>, vector<512x2048xf32> -> vector<512x2048xf32>
    %slice3A_24 = vector.extract_strided_slice %broadcast_in_dim3A {offsets = [0, 0], sizes = [512, 1], strides = [1, 1]} : vector<2048x1xf32> to vector<512x1xf32>
    %add3A_25 = vector.broadcast %slice3A_24 : vector<512x1xf32> to vector<512x2048xf32>
    %add3A_26 = vector.broadcast %mul3A_18 : vector<1x2048xf32> to vector<512x2048xf32>
    %add3A_27 = arith.addf %add3A_25, %add3A_26 : vector<512x2048xf32>
    %add3A_28 = arith.addf %add3A_27, %dot_general3A_23 : vector<512x2048xf32>
    %reduce_min3A = arith.constant dense<0x7F800000> : vector<512xf32>
    %reduce_min3A_29 = vector.multi_reduction <minimumf>, %add3A_28, %reduce_min3A [1] : vector<512x2048xf32> to vector<512xf32>
    %broadcast_in_dim3A_30 = vector.shape_cast %reduce_min3A_29 : vector<512xf32> to vector<512x1xf32>
    %max3A = arith.constant 0.000000e+00 : f32
    %max3A_31 = vector.broadcast %max3A : f32 to vector<512x1xf32>
    %max3A_32 = arith.maximumf %broadcast_in_dim3A_30, %max3A_31 : vector<512x1xf32>
    %reduce_sum3A_33 = vector.shape_cast %max3A_32 : vector<512x1xf32> to vector<1x512x1xf32>
    %reduce_sum3A_34 = arith.constant dense<0.000000e+00> : vector<1xf32>
    %reduce_sum3A_35 = vector.multi_reduction <add>, %reduce_sum3A_33, %reduce_sum3A_34 [1, 2] : vector<1x512x1xf32> to vector<1xf32>
    %reduce_sum3A_36 = vector.shape_cast %reduce_sum3A_35 : vector<1xf32> to vector<1x1x1xf32>
    %reduce_sum3A_37 = vector.extract %reduce_sum3A_36[0, 0, 0] : f32 from vector<1x1x1xf32>
    %get3A_38 = arith.index_cast %arg0 : i32 to index
    %get3A_39 = arith.constant 0 : index
    %get3A_40 = memref.load %arg3[%get3A_38, %get3A_39] : memref<7x2xf32, #tpu.memory_space<smem>>
    %jit3A = arith.constant true
    %jit3A_41 = arith.constant 0.000000e+00 : f32
    %select_n3A = arith.select %jit3A, %jit3A_41, %get3A_40 : f32
    %add3A_42 = arith.addf %select_n3A, %reduce_sum3A_37 : f32
    %swap3A = arith.index_cast %arg0 : i32 to index
    %swap3A_43 = arith.constant 0 : index
    %swap3A_44 = memref.load %arg3[%swap3A, %swap3A_43] : memref<7x2xf32, #tpu.memory_space<smem>>
    memref.store %add3A_42, %arg3[%swap3A, %swap3A_43] : memref<7x2xf32, #tpu.memory_space<smem>>
    %reduce_min3A_45 = arith.constant dense<0x7F800000> : vector<2048xf32>
    %reduce_min3A_46 = vector.multi_reduction <minimumf>, %add3A_28, %reduce_min3A_45 [0] : vector<512x2048xf32> to vector<2048xf32>
    %broadcast_in_dim3A_47 = vector.shape_cast %reduce_min3A_46 : vector<2048xf32> to vector<1x2048xf32>
    %min3A = arith.minimumf %broadcast_in_dim3A_20, %broadcast_in_dim3A_47 : vector<1x2048xf32>
    %slice3A_48 = vector.extract_strided_slice %get3A_3 {offsets = [512, 0], sizes = [512, 3], strides = [1, 1]} : vector<2048x3xf32> to vector<512x3xf32>
    %convert_element_type3A_49 = arith.truncf %slice3A_48 : vector<512x3xf32> to vector<512x3xbf16>
    %dot_general3A_50 = arith.constant dense<0.000000e+00> : vector<512x2048xf32>
    %dot_general3A_51 = tpu.matmul %convert_element_type3A_49, %convert_element_type3A, %dot_general3A_50 {dimension_numbers = #tpu.dot_dimension_numbers<[1], [0], [0], [1], [0, 0, 1, 1], [], []>, transpose_lhs_hint = false} : vector<512x3xbf16>, vector<3x2048xbf16>, vector<512x2048xf32> -> vector<512x2048xf32>
    %slice3A_52 = vector.extract_strided_slice %broadcast_in_dim3A {offsets = [512, 0], sizes = [512, 1], strides = [1, 1]} : vector<2048x1xf32> to vector<512x1xf32>
    %add3A_53 = vector.broadcast %slice3A_52 : vector<512x1xf32> to vector<512x2048xf32>
    %add3A_54 = vector.broadcast %mul3A_18 : vector<1x2048xf32> to vector<512x2048xf32>
    %add3A_55 = arith.addf %add3A_53, %add3A_54 : vector<512x2048xf32>
    %add3A_56 = arith.addf %add3A_55, %dot_general3A_51 : vector<512x2048xf32>
    %reduce_min3A_57 = arith.constant dense<0x7F800000> : vector<512xf32>
    %reduce_min3A_58 = vector.multi_reduction <minimumf>, %add3A_56, %reduce_min3A_57 [1] : vector<512x2048xf32> to vector<512xf32>
    %broadcast_in_dim3A_59 = vector.shape_cast %reduce_min3A_58 : vector<512xf32> to vector<512x1xf32>
    %max3A_60 = arith.constant 0.000000e+00 : f32
    %max3A_61 = vector.broadcast %max3A_60 : f32 to vector<512x1xf32>
    %max3A_62 = arith.maximumf %broadcast_in_dim3A_59, %max3A_61 : vector<512x1xf32>
    %reduce_sum3A_63 = vector.shape_cast %max3A_62 : vector<512x1xf32> to vector<1x512x1xf32>
    %reduce_sum3A_64 = arith.constant dense<0.000000e+00> : vector<1xf32>
    %reduce_sum3A_65 = vector.multi_reduction <add>, %reduce_sum3A_63, %reduce_sum3A_64 [1, 2] : vector<1x512x1xf32> to vector<1xf32>
    %reduce_sum3A_66 = vector.shape_cast %reduce_sum3A_65 : vector<1xf32> to vector<1x1x1xf32>
    %reduce_sum3A_67 = vector.extract %reduce_sum3A_66[0, 0, 0] : f32 from vector<1x1x1xf32>
    %get3A_68 = arith.index_cast %arg0 : i32 to index
    %get3A_69 = arith.constant 0 : index
    %get3A_70 = memref.load %arg3[%get3A_68, %get3A_69] : memref<7x2xf32, #tpu.memory_space<smem>>
    %jit3A_71 = arith.constant false
    %jit3A_72 = arith.constant 0.000000e+00 : f32
    %select_n3A_73 = arith.select %jit3A_71, %jit3A_72, %get3A_70 : f32
    %add3A_74 = arith.addf %select_n3A_73, %reduce_sum3A_67 : f32
    %swap3A_75 = arith.index_cast %arg0 : i32 to index
    %swap3A_76 = arith.constant 0 : index
    %swap3A_77 = memref.load %arg3[%swap3A_75, %swap3A_76] : memref<7x2xf32, #tpu.memory_space<smem>>
    memref.store %add3A_74, %arg3[%swap3A_75, %swap3A_76] : memref<7x2xf32, #tpu.memory_space<smem>>
    %reduce_min3A_78 = arith.constant dense<0x7F800000> : vector<2048xf32>
    %reduce_min3A_79 = vector.multi_reduction <minimumf>, %add3A_56, %reduce_min3A_78 [0] : vector<512x2048xf32> to vector<2048xf32>
    %broadcast_in_dim3A_80 = vector.shape_cast %reduce_min3A_79 : vector<2048xf32> to vector<1x2048xf32>
    %min3A_81 = arith.minimumf %min3A, %broadcast_in_dim3A_80 : vector<1x2048xf32>
    %slice3A_82 = vector.extract_strided_slice %get3A_3 {offsets = [1024, 0], sizes = [512, 3], strides = [1, 1]} : vector<2048x3xf32> to vector<512x3xf32>
    %convert_element_type3A_83 = arith.truncf %slice3A_82 : vector<512x3xf32> to vector<512x3xbf16>
    %dot_general3A_84 = arith.constant dense<0.000000e+00> : vector<512x2048xf32>
    %dot_general3A_85 = tpu.matmul %convert_element_type3A_83, %convert_element_type3A, %dot_general3A_84 {dimension_numbers = #tpu.dot_dimension_numbers<[1], [0], [0], [1], [0, 0, 1, 1], [], []>, transpose_lhs_hint = false} : vector<512x3xbf16>, vector<3x2048xbf16>, vector<512x2048xf32> -> vector<512x2048xf32>
    %slice3A_86 = vector.extract_strided_slice %broadcast_in_dim3A {offsets = [1024, 0], sizes = [512, 1], strides = [1, 1]} : vector<2048x1xf32> to vector<512x1xf32>
    %add3A_87 = vector.broadcast %slice3A_86 : vector<512x1xf32> to vector<512x2048xf32>
    %add3A_88 = vector.broadcast %mul3A_18 : vector<1x2048xf32> to vector<512x2048xf32>
    %add3A_89 = arith.addf %add3A_87, %add3A_88 : vector<512x2048xf32>
    %add3A_90 = arith.addf %add3A_89, %dot_general3A_85 : vector<512x2048xf32>
    %reduce_min3A_91 = arith.constant dense<0x7F800000> : vector<512xf32>
    %reduce_min3A_92 = vector.multi_reduction <minimumf>, %add3A_90, %reduce_min3A_91 [1] : vector<512x2048xf32> to vector<512xf32>
    %broadcast_in_dim3A_93 = vector.shape_cast %reduce_min3A_92 : vector<512xf32> to vector<512x1xf32>
    %max3A_94 = arith.constant 0.000000e+00 : f32
    %max3A_95 = vector.broadcast %max3A_94 : f32 to vector<512x1xf32>
    %max3A_96 = arith.maximumf %broadcast_in_dim3A_93, %max3A_95 : vector<512x1xf32>
    %reduce_sum3A_97 = vector.shape_cast %max3A_96 : vector<512x1xf32> to vector<1x512x1xf32>
    %reduce_sum3A_98 = arith.constant dense<0.000000e+00> : vector<1xf32>
    %reduce_sum3A_99 = vector.multi_reduction <add>, %reduce_sum3A_97, %reduce_sum3A_98 [1, 2] : vector<1x512x1xf32> to vector<1xf32>
    %reduce_sum3A_100 = vector.shape_cast %reduce_sum3A_99 : vector<1xf32> to vector<1x1x1xf32>
    %reduce_sum3A_101 = vector.extract %reduce_sum3A_100[0, 0, 0] : f32 from vector<1x1x1xf32>
    %get3A_102 = arith.index_cast %arg0 : i32 to index
    %get3A_103 = arith.constant 0 : index
    %get3A_104 = memref.load %arg3[%get3A_102, %get3A_103] : memref<7x2xf32, #tpu.memory_space<smem>>
    %jit3A_105 = arith.constant false
    %jit3A_106 = arith.constant 0.000000e+00 : f32
    %select_n3A_107 = arith.select %jit3A_105, %jit3A_106, %get3A_104 : f32
    %add3A_108 = arith.addf %select_n3A_107, %reduce_sum3A_101 : f32
    %swap3A_109 = arith.index_cast %arg0 : i32 to index
    %swap3A_110 = arith.constant 0 : index
    %swap3A_111 = memref.load %arg3[%swap3A_109, %swap3A_110] : memref<7x2xf32, #tpu.memory_space<smem>>
    memref.store %add3A_108, %arg3[%swap3A_109, %swap3A_110] : memref<7x2xf32, #tpu.memory_space<smem>>
    %reduce_min3A_112 = arith.constant dense<0x7F800000> : vector<2048xf32>
    %reduce_min3A_113 = vector.multi_reduction <minimumf>, %add3A_90, %reduce_min3A_112 [0] : vector<512x2048xf32> to vector<2048xf32>
    %broadcast_in_dim3A_114 = vector.shape_cast %reduce_min3A_113 : vector<2048xf32> to vector<1x2048xf32>
    %min3A_115 = arith.minimumf %min3A_81, %broadcast_in_dim3A_114 : vector<1x2048xf32>
    %slice3A_116 = vector.extract_strided_slice %get3A_3 {offsets = [1536, 0], sizes = [512, 3], strides = [1, 1]} : vector<2048x3xf32> to vector<512x3xf32>
    %convert_element_type3A_117 = arith.truncf %slice3A_116 : vector<512x3xf32> to vector<512x3xbf16>
    %dot_general3A_118 = arith.constant dense<0.000000e+00> : vector<512x2048xf32>
    %dot_general3A_119 = tpu.matmul %convert_element_type3A_117, %convert_element_type3A, %dot_general3A_118 {dimension_numbers = #tpu.dot_dimension_numbers<[1], [0], [0], [1], [0, 0, 1, 1], [], []>, transpose_lhs_hint = false} : vector<512x3xbf16>, vector<3x2048xbf16>, vector<512x2048xf32> -> vector<512x2048xf32>
    %slice3A_120 = vector.extract_strided_slice %broadcast_in_dim3A {offsets = [1536, 0], sizes = [512, 1], strides = [1, 1]} : vector<2048x1xf32> to vector<512x1xf32>
    %add3A_121 = vector.broadcast %slice3A_120 : vector<512x1xf32> to vector<512x2048xf32>
    %add3A_122 = vector.broadcast %mul3A_18 : vector<1x2048xf32> to vector<512x2048xf32>
    %add3A_123 = arith.addf %add3A_121, %add3A_122 : vector<512x2048xf32>
    %add3A_124 = arith.addf %add3A_123, %dot_general3A_119 : vector<512x2048xf32>
    %reduce_min3A_125 = arith.constant dense<0x7F800000> : vector<512xf32>
    %reduce_min3A_126 = vector.multi_reduction <minimumf>, %add3A_124, %reduce_min3A_125 [1] : vector<512x2048xf32> to vector<512xf32>
    %broadcast_in_dim3A_127 = vector.shape_cast %reduce_min3A_126 : vector<512xf32> to vector<512x1xf32>
    %max3A_128 = arith.constant 0.000000e+00 : f32
    %max3A_129 = vector.broadcast %max3A_128 : f32 to vector<512x1xf32>
    %max3A_130 = arith.maximumf %broadcast_in_dim3A_127, %max3A_129 : vector<512x1xf32>
    %reduce_sum3A_131 = vector.shape_cast %max3A_130 : vector<512x1xf32> to vector<1x512x1xf32>
    %reduce_sum3A_132 = arith.constant dense<0.000000e+00> : vector<1xf32>
    %reduce_sum3A_133 = vector.multi_reduction <add>, %reduce_sum3A_131, %reduce_sum3A_132 [1, 2] : vector<1x512x1xf32> to vector<1xf32>
    %reduce_sum3A_134 = vector.shape_cast %reduce_sum3A_133 : vector<1xf32> to vector<1x1x1xf32>
    %reduce_sum3A_135 = vector.extract %reduce_sum3A_134[0, 0, 0] : f32 from vector<1x1x1xf32>
    %get3A_136 = arith.index_cast %arg0 : i32 to index
    %get3A_137 = arith.constant 0 : index
    %get3A_138 = memref.load %arg3[%get3A_136, %get3A_137] : memref<7x2xf32, #tpu.memory_space<smem>>
    %jit3A_139 = arith.constant false
    %jit3A_140 = arith.constant 0.000000e+00 : f32
    %select_n3A_141 = arith.select %jit3A_139, %jit3A_140, %get3A_138 : f32
    %add3A_142 = arith.addf %select_n3A_141, %reduce_sum3A_135 : f32
    %swap3A_143 = arith.index_cast %arg0 : i32 to index
    %swap3A_144 = arith.constant 0 : index
    %swap3A_145 = memref.load %arg3[%swap3A_143, %swap3A_144] : memref<7x2xf32, #tpu.memory_space<smem>>
    memref.store %add3A_142, %arg3[%swap3A_143, %swap3A_144] : memref<7x2xf32, #tpu.memory_space<smem>>
    %reduce_min3A_146 = arith.constant dense<0x7F800000> : vector<2048xf32>
    %reduce_min3A_147 = vector.multi_reduction <minimumf>, %add3A_124, %reduce_min3A_146 [0] : vector<512x2048xf32> to vector<2048xf32>
    %broadcast_in_dim3A_148 = vector.shape_cast %reduce_min3A_147 : vector<2048xf32> to vector<1x2048xf32>
    %min3A_149 = arith.minimumf %min3A_115, %broadcast_in_dim3A_148 : vector<1x2048xf32>
    %max3A_150 = arith.constant 0.000000e+00 : f32
    %max3A_151 = vector.broadcast %max3A_150 : f32 to vector<1x2048xf32>
    %max3A_152 = arith.maximumf %min3A_149, %max3A_151 : vector<1x2048xf32>
    %reduce_sum3A_153 = vector.shape_cast %max3A_152 : vector<1x2048xf32> to vector<1x1x2048xf32>
    %reduce_sum3A_154 = arith.constant dense<0.000000e+00> : vector<1xf32>
    %reduce_sum3A_155 = vector.multi_reduction <add>, %reduce_sum3A_153, %reduce_sum3A_154 [1, 2] : vector<1x1x2048xf32> to vector<1xf32>
    %reduce_sum3A_156 = vector.shape_cast %reduce_sum3A_155 : vector<1xf32> to vector<1x1x1xf32>
    %reduce_sum3A_157 = vector.extract %reduce_sum3A_156[0, 0, 0] : f32 from vector<1x1x1xf32>
    %swap3A_158 = arith.index_cast %arg0 : i32 to index
    %swap3A_159 = arith.constant 1 : index
    %swap3A_160 = memref.load %arg3[%swap3A_158, %swap3A_159] : memref<7x2xf32, #tpu.memory_space<smem>>
    memref.store %reduce_sum3A_157, %arg3[%swap3A_158, %swap3A_159] : memref<7x2xf32, #tpu.memory_space<smem>>
    return
  }
  func.func @transform_0(%arg0: i32) -> (i32, i32, i32) {
    %c0_i32 = arith.constant 0 : i32
    %c0_i32_0 = arith.constant 0 : i32
    %c0_i32_1 = arith.constant 0 : i32
    return %arg0, %c0_i32, %c0_i32_0 : i32, i32, i32
  }
  func.func @transform_1(%arg0: i32) -> (i32, i32, i32) {
    %c0_i32 = arith.constant 0 : i32
    %c0_i32_0 = arith.constant 0 : i32
    %c0_i32_1 = arith.constant 0 : i32
    return %arg0, %c0_i32, %c0_i32_0 : i32, i32, i32
  }
  func.func @transform_2(%arg0: i32) -> (i32, i32) {
    %c0_i32 = arith.constant 0 : i32
    %c0_i32_0 = arith.constant 0 : i32
    %c0_i32_1 = arith.constant 0 : i32
    return %c0_i32, %c0_i32_0 : i32, i32
  }
}

</mosaic_0001>

<sc_bundles>
// kernel: kernel.4.cloned.1.call-start
scs
__scs_entry_jumppad:
0x0: {  	(pc) =	sbr.rel $0x88, $3  }
0x1: {  	(tag) =	ssettag $0x0;
	lr =	simm.s32 $0x1  }
0x2: {  	[smem:$0x3F9F] =	sst lr;
	_ =	strace $0xD0000000  }
0x3: {  	_ = 	snop  }
0x4: {  	_ = 	snop  }
0x5: {  	_ = 	snop  }
0x6: {  	_ = 	snop  }
0x7: {  	_ = 	snop  }
__scs_overlays_trampoline_lowered:
0x8: {  	[smem:$0x3FAE] =	sst s0  }
0x9: {  	[smem:$0x3FAF] =	sst s1  }
0xa: {  	[smem:$0x3FB0] =	sst s2  }
0xb: {  	[smem:$0x3FB1] =	sst s3  }
0xc: {  	[smem:$0x3FB2] =	sst s4  }
0xd: {  	[smem:$0x3FB3] =	sst s5  }
0xe: {  	[smem:$0x3FB4] =	sst s6  }
0xf: {  	[smem:$0x3FB5] =	sst s7  }
0x10: {  	[smem:$0x3FB6] =	sst s8  }
0x11: {  	[smem:$0x3FB7] =	sst s9;
	s0 =	simm.s32 @!p0 $0x0  }
0x12: {  	s1 =	sld [smem:$0x3F9D];
	s0 =	simm.s32 @p0 $0x1  }
0x13: {  	[smem:$0x3FB8] =	sst s0;
	s0 =	simm.s32 @!p1 $0x0  }
0x14: {  	s2 =	sld [smem:$0x3F9C];
	s0 =	simm.s32 @p1 $0x1  }
0x15: {  	[smem:$0x3FB9] =	sst s0;
	s0 =	simm.s32 @!p2 $0x0  }
0x16: {  	s3 =	sld [smem:$0x3FDB];
	s0 =	simm.s32 @p2 $0x1  }
0x17: {  	s4 =	simm.s32 $0x1BF5;
	[smem:$0x3FBB] =	sst s0  }
0x18: {  	s0 =	sld [smem:$0x3F9E];
	_ =	swait.ge [sflag:s4], $0x0  }
0x19: {  	s7 =	sld [smem:$0x3F9F]  }
0x1a: {  	s8 =	sadd.s32 $0xFFFFE003, lr  }
0x1b: {  	s9 =	sadd.s32 $0xFFFFFEF7, lr;
	s5 =	simm.s32 $0xFFFFFFFF;
	p2 =	slt.u32 s8, $0xFFFFF086  }
0x1c: {  	p1 =	slt.u32 s9, $0xF7A;
	s5 =	simm.s32 @!p2 $0x0  }
0x1d: {  	s5 =	simm.s32 @p1 $0x1;
	p0 =	seq.s32 s7, s2  }
0x1e: {  	s7 =	smul.u32 @!p0 $0xF7A, s2;
	p2 =	seq.s32 @!p0 s5, $0x0  }
0x1f: {  	s9 =	smul.u32 $0xF7A, s1;
	s8 =	simm.s32 @!p0 $0x1BF5;
	p2 =	por !p2, p0  }
0x20: {  	[sflag:s8] =	ssyncset.s32 @!p0 $0xFFFFF086;
	s6 =	sadd.s32 @!p0 s3, s7;
	s7 =	simm.s32 @!p0 $0x108  }
0x21: {  	s3 =	sadd.s32 s3, s9;
	s6 =	sadd.s32 @!p0 $0x88, s6;
	s7 =	simm.s32 @p2 $0x1082  }
0x22: {  	[simem:s7], [sflag:s8] =	dma.local @!p0 [hbm:s6], $0xF7A  }
0x23: {  	s9 =	sor.u32 $0xD0000000, s2;
	s6 =	simm.s32 $0x108;
	_ =	swait.ge @!p0 [sflag:s8], $0x0  }
0x24: {  	s3 =	sadd.s32 $0x88, s3;
	s6 =	simm.s32 @!p1 $0x1082;
	[sflag:s4] =	ssyncset.s32 $0xFFFFF086  }
0x25: {  	[simem:s6], [sflag:s4] =	dma.local [hbm:s3], $0xF7A  }
0x26: {  	[smem:$0x3F9F] =	sst s1;
	(tag) =	ssettag s2;
	_ =	strace s9  }
0x27: {  	s1 =	sld [smem:$0x3FAF]  }
0x28: {  	s2 =	sld [smem:$0x3FB0]  }
0x29: {  	s4 =	sld [smem:$0x3FB2]  }
0x2a: {  	p0 =	seq.s32 s5, $0x0;
	s5 =	sld [smem:$0x3FB3]  }
0x2b: {  	s6 =	sld [smem:$0x3FB4]  }
0x2c: {  	s7 =	sld [smem:$0x3FB5]  }
0x2d: {  	s3 =	simm.s32 $0x108;
	s8 =	sld [smem:$0x3FB6]  }
0x2e: {  	s3 =	simm.s32 @!p0 $0x1082;
	s9 =	sld [smem:$0x3FB7]  }
0x2f: {  	lr =	sadd.s32 s0, s3;
	s0 =	sld [smem:$0x3FAE]  }
0x30: {  	s3 =	sld [smem:$0x3FB1]  }
0x31: {  	[smem:$0x3FBA] =	sst s10  }
0x32: {  	s10 =	sld [smem:$0x3FB8];
	_ =	sdelay $0x3  }
0x33: {  	p0 =	seq.s32 s10, $0x1;
	s10 =	sld [smem:$0x3FBA];
	_ =	sdelay $0x3  }
0x34: {  	[smem:$0x3FBA] =	sst s10  }
0x35: {  	s10 =	sld [smem:$0x3FB9];
	_ =	sdelay $0x3  }
0x36: {  	p1 =	seq.s32 s10, $0x1;
	s10 =	sld [smem:$0x3FBA];
	_ =	sdelay $0x3  }
0x37: {  	[smem:$0x3FBA] =	sst s10  }
0x38: {  	s10 =	sld [smem:$0x3FBB]  }
0x39: {  	_ = 	snop;
	(pc) =	sbr.ind lr, $3  }
0x3a: {  	_ = 	snop  }
0x3b: {  	_ = 	snop  }
0x3c: {  	p2 =	seq.s32 s10, $0x1;
	s10 =	sld [smem:$0x3FBA]  }
0x3d: {  	_ =	shalt  }
0x3e: {  	_ =	shalt  }
0x3f: {  	_ =	shalt  }
0x40: {  	_ =	shalt  }
0x41: {  	_ =	shalt  }
0x42: {  	_ =	shalt  }
0x43: {  	_ =	shalt  }
0x44: {  	_ =	shalt  }
0x45: {  	_ =	shalt  }
0x46: {  	_ =	shalt  }
0x47: {  	_ =	shalt  }
0x48: {  	_ =	shalt  }
0x49: {  	_ =	shalt  }
0x4a: {  	_ =	shalt  }
0x4b: {  	_ =	shalt  }
0x4c: {  	_ =	shalt  }
0x4d: {  	_ =	shalt  }
0x4e: {  	_ =	shalt  }
0x4f: {  	_ =	shalt  }
0x50: {  	_ =	shalt  }
0x51: {  	_ =	shalt  }
0x52: {  	_ =	shalt  }
0x53: {  	_ =	shalt  }
0x54: {  	_ =	shalt  }
0x55: {  	_ =	shalt  }
0x56: {  	_ =	shalt  }
0x57: {  	_ =	shalt  }
0x58: {  	_ =	shalt  }
0x59: {  	_ =	shalt  }
0x5a: {  	_ =	shalt  }
0x5b: {  	_ =	shalt  }
0x5c: {  	_ =	shalt  }
0x5d: {  	_ =	shalt  }
0x5e: {  	_ =	shalt  }
0x5f: {  	_ =	shalt  }
0x60: {  	_ =	shalt  }
0x61: {  	_ =	shalt  }
0x62: {  	_ =	shalt  }
0x63: {  	_ =	shalt  }
0x64: {  	_ =	shalt  }
0x65: {  	_ =	shalt  }
0x66: {  	_ =	shalt  }
0x67: {  	_ =	shalt  }
0x68: {  	_ =	shalt  }
0x69: {  	_ =	shalt  }
0x6a: {  	_ =	shalt  }
0x6b: {  	_ =	shalt  }
0x6c: {  	_ =	shalt  }
0x6d: {  	_ =	shalt  }
0x6e: {  	_ =	shalt  }
0x6f: {  	_ =	shalt  }
0x70: {  	_ =	shalt  }
0x71: {  	_ =	shalt  }
0x72: {  	_ =	shalt  }
0x73: {  	_ =	shalt  }
0x74: {  	_ =	shalt  }
0x75: {  	_ =	shalt  }
0x76: {  	_ =	shalt  }
0x77: {  	_ =	shalt  }
0x78: {  	_ =	shalt  }
0x79: {  	_ =	shalt  }
0x7a: {  	_ =	shalt  }
0x7b: {  	_ =	shalt  }
0x7c: {  	_ =	shalt  }
0x7d: {  	_ =	shalt  }
0x7e: {  	_ =	shalt  }
0x7f: {  	_ =	shalt  }
0x80: {  	_ =	shalt  }
0x81: {  	_ =	shalt  }
0x82: {  	_ =	shalt  }
0x83: {  	_ =	shalt  }
0x84: {  	_ =	shalt  }
0x85: {  	_ =	shalt  }
0x86: {  	_ =	shalt  }
0x87: {  	_ =	shalt  }
.Lfunc_end0:
.L_simem_size_0:
called_computation_lowered:
.L_overlay_start_0:
0x88: {  	s0 =	sld [smem:$0x3FD9]  }
0x89: {  	s1 =	sld [smem:$0x3FFE];
	_ =	sdelay $0x3  }
0x8a: {  	s0 =	sadd.s32 s1, s0  }
0x8b: {  	[smem:$0x3FC6] =	sst s0  }
0x8c: {  	_ = 	snop  }
0x8d: {  	(tm) =	ssettm $0x1  }
0x8e: {  	s15 =	sld [smem:$0x3FFB];
	_ =	sdelay $0x3  }
0x8f: {  	_ =	strace s15  }
0x90: {  	s0 =	sld [smem:$0x3FFC];
	_ =	sdelay $0x3  }
0x91: {  	_ =	strace s0  }
0x92: {  	s0 =	sld [smem:$0x3FFD];
	_ =	sdelay $0x3  }
0x93: {  	_ =	strace s0  }
0x94: {  	_ =	strace $0x8FFFFFFF  }
0x95: {  	s16 =	sld [smem:$0x3FDB];
	_ =	sdelay $0x1  }
0x96: {  	s17 =	simm.s32 $_scs_section_size  }
0x97: {  	s2 =	simm.s32 $_size__tile_overlayer_lowered;
	s3 =	simm.s32 $_tile_overlayer_lowered  }
0x98: {  	s20 =	simm.s32 $0x1BFF;
	s19 =	sshll.u32 s3, $0x1;
	s0 =	sadd.s32 s17, s16  }
0x99: {  	s4 =	simm.s32 $0x0;
	s18 =	sshll.u32 s2, $0x1;
	s2 =	sadd.s32 s19, s0  }
0x9a: {  	[timem:s4], [sflag:s20] =	dma.local [hbm:s2], s18  }
0x9b: {  	_ =	swait.ge [sflag:s20], s18  }
0x9c: {  	s1 =	ssub.s32 $0x0, s18;
	[sflag:s20] =	ssyncset.done $0x0  }
0x9d: {  	[sflag:s20] =	ssyncadd.s32 s1;
	_ =	sdelay $0x1  }
0x9e: {  	s21 =	simm.s32 $0x1B8B  }
0x9f: {  	_ =	swait.ge [sflag:s21], $0x1  }
0xa0: {  	[sflag:s21] =	ssyncset.done $0x0  }
0xa1: {  	s23 =	simm.s32 $0x1B8E;
	s22 =	sld [smem:$0x3FFE];
	[sflag:s21] =	ssyncadd.s32 $0xFFFFFFFF  }
0xa2: {  	s24 =	simm.s32 $execute0_lowered;
	[smem:$0x3FD2] =	sst s23  }
0xa3: {  	s2 =	sshll.u32 s24, $0x1;
	_ =	strace $0x80000046;
	[dreg:$0x1] =	wrdreg $0xFFFFFFFF  }
0xa4: {  	s25 =	simm.s32 $_size_execute0_lowered;
	s0 =	sadd.s32 s0, s2;
	[dreg:$0x0] =	wrdreg $0x0  }
0xa5: {  	s2 =	sshll.u32 s25, $0x1;
	[dreg:$0x2] =	wrdreg s0  }
0xa6: {  	[dreg:$0x3] =	wrdreg s2  }
0xa7: {  	[dreg:$0x4] =	wrdreg $0xC0  }
0xa8: {  	_ =	task [dreg:s4], $0x5FFFF  }
0xa9: {  	[dreg:$0x1] =	wrdreg $0xFFFFFFFF  }
0xaa: {  	[dreg:$0x0] =	wrdreg $0x60  }
0xab: {  	[dreg:$0x2] =	wrdreg s22  }
0xac: {  	[dreg:$0x3] =	wrdreg $0x9  }
0xad: {  	_ =	task.clear_ibuf [dreg:s4], $0x4FFFF;
	_ =	strace $0x90000046  }
0xae: {  	s26 =	simm.s32 $0x9;
	_ =	strace $0x80000048  }
0xaf: {  	_ =	swait.ge [sflag:s26], $0x1  }
0xb0: {  	[sflag:s26] =	ssyncadd.s32 $0xFFFFFFFF  }
0xb1: {  	_ =	strace $0x90000048  }
0xb2: {  	_ =	sfence  }
0xb3: {  	s28 =	sld [smem:$0x0];
	_ =	sdelay $0x1  }
0xb4: {  	s29 =	srdreg.scid  }
0xb5: {  	s30 =	sshll.u32 s29, $0xD;
	s31 =	sshrl.u32 s29, $0x2  }
0xb6: {  	s1 =	sand.u32 $0x1, s29;
	s2 =	sand.u32 $0x4000, s30;
	s0 =	sadd.s32 s31, s28  }
0xb7: {  	s1 =	sor.u32 s2, s1;
	s0 =	sshll.u32 s0, $0x11  }
0xb8: {  	s0 =	sor.u32 s0, s1  }
0xb9: {  	s0 =	sadd.s32 $0x8F2B, s0  }
0xba: {  	[sflag:s0] =	ssyncadd.remote.s32 $0x1  }
0xbb: {  	_ =	sfence.sel $0xFFFF  }
0xbc: {  	[dreg:$0x0] =	wrdreg $0xFFFFFFFF;
	(pc) =	sbr.abs _section_cstart, $3  }
0xbd: {  	[dreg:$0x1] =	wrdreg $0xFFFFFFFF  }
0xbe: {  	_ =	task.clear_ibuf [dreg:s4], $0x2FFFF;
	_ =	strace $0x9FFFFFFF  }
0xbf: {  	(tm) =	ssettm $0x7FFFFFFF  }
tec
execute0_lowered:
.L_overlay_start_1:
0x0: {  	(tag) =	ssettag $0x1  }
0x1: {  	s1 =	rddreg [dreg:$0x0]  }
0x2: {  	s0 =	rddreg [dreg:$0x1];
	s3 =	simm.s32 $0x0  }
0x3: {  	[smem:$0x7FF] =	sst s3  }
0x4: {  	s29 =	simm.s32 $0x1;
	s2 =	sadd.s32 $0x400, s1;
	_ =	strace $0x80000047  }
0x5: {  	[tilespmem:s3], [sflag:$0x1] =	stream.linear.gather [hbm4b:s2+s3], $0x2000, $0x38;
	[tilespmem:$0x5180] =	vst v63  }
0x6: {  	_ =	swait.ge [sflag:s29], $0x2000  }
0x7: {  	[sflag:s29] =	ssyncset.done $0x0  }
0x8: {  	s4 =	simm.s32 $0x2000;
	[sflag:s29] =	ssyncadd.s32 $0xFFFFE000  }
0x9: {  	[tilespmem:s4], [sflag:$0x1] =	stream.linear.gather [hbm4b:s1+s3], $0x2000, $0x38;
	[tilespmem:$0x5180] =	vst v63  }
0xa: {  	_ =	swait.ge [sflag:s29], $0x2000  }
0xb: {  	s30 =	sand.u32 $0x70, s3;
	s5 =	sand.u32 $0x1E00, s3;
	[sflag:s29] =	ssyncset.done $0x0  }
0xc: {  	s31 =	sor.u32 s30, s5;
	[sflag:s29] =	ssyncadd.s32 $0xFFFFE000  }
0xd: {  	v0 =	vld [tilespmem:s31+$0x0]  }
0xe: {  	v1 =	vld [tilespmem:s31+$0x80];
	_ =	sdelay $0x1  }
0xf: {  	v2 =	vld [tilespmem:s31+$0x100];
	_ =	sdelay $0x2  }
0x10: {  	v0 =	vmul.f32 v0, v0;
	v1 =	vmul.f32 v1, v1;
	_ =	sdelay $0x1  }
0x11: {  	v0 =	vadd.f32 v1, v0;
	v1 =	vmul.f32 v2, v2;
	_ =	sdelay $0x1  }
0x12: {  	v0 =	vadd.f32 v1, v0  }
0x13: {  	s5 =	simm.s32 $0x0  }
0x14: {  	[tilespmem:s5+$0x4000] =	vst v0  }
0x15: {  	v0 =	vld [tilespmem:s31+$0x2000]  }
0x16: {  	v1 =	vld [tilespmem:s31+$0x2080];
	_ =	sdelay $0x1  }
0x17: {  	v2 =	vld [tilespmem:s31+$0x2100];
	_ =	sdelay $0x2  }
0x18: {  	v3 =	vmul.f32 v0, v0;
	v1 =	vmul.f32 v1, v1;
	_ =	sdelay $0x1  }
0x19: {  	s2 =	sadd.s32 $0x800, s1;
	s1 =	stileid.u32;
	s4 =	simm.s32 $0x10;
	v0 =	vmul.f32 v2, v2;
	v2 =	vadd.f32 v1, v3  }
.LBB2_1:
0x1a: {  	p0 =	sne.s32 s4, $0x7F0  }
0x1b: {  	s3 =	sadd.s32 $0x40, s3;
	s6 =	smov.u32 s4;
	s4 =	sadd.s32 $0x10, s4  }
0x1c: {  	s6 =	sand.u32 $0x70, s6;
	s7 =	sand.u32 $0x1E00, s3;
	v0 =	vadd.f32 v0, v2  }
0x1d: {  	s6 =	sor.u32 s6, s7  }
0x1e: {  	[tilespmem:s5+$0x4800] =	vst v0  }
0x1f: {  	v0 =	vld [tilespmem:s6+$0x0]  }
0x20: {  	v1 =	vld [tilespmem:s6+$0x80];
	_ =	sdelay $0x1  }
0x21: {  	v2 =	vld [tilespmem:s6+$0x100];
	_ =	sdelay $0x2  }
0x22: {  	v0 =	vmul.f32 v0, v0;
	v1 =	vmul.f32 v1, v1;
	_ =	sdelay $0x1  }
0x23: {  	v0 =	vadd.f32 v1, v0;
	v1 =	vmul.f32 v2, v2;
	_ =	sdelay $0x1  }
0x24: {  	v0 =	vadd.f32 v1, v0  }
0x25: {  	s5 =	sshra.s32 s3, $0x2  }
0x26: {  	[tilespmem:s5+$0x4000] =	vst v0  }
0x27: {  	v0 =	vld [tilespmem:s6+$0x2000]  }
0x28: {  	v1 =	vld [tilespmem:s6+$0x2080]  }
0x29: {  	v2 =	vld [tilespmem:s6+$0x2100];
	_ =	sdelay $0x1  }
.Ltmp0:
0x2a: {  	(pc) =	sbr.rel @p0 .LBB2_1-.Ltmp0, $4  }
0x2b: {  	v3 =	vmul.f32 v0, v0  }
0x2c: {  	v1 =	vmul.f32 v1, v1  }
0x2d: {  	v0 =	vmul.f32 v2, v2  }
0x2e: {  	v2 =	vadd.f32 v1, v3  }
0x2f: {  	v1 =	vlaneseq.u32  }
0x30: {  	v1 =	vmul.u32 $0x10, v1;
	v2 =	vadd.f32 v0, v2;
	_ =	sdelay $0x1  }
0x31: {  	v3 =	vor.u32 $0x1, v1;
	[tilespmem:s5+$0x4800] =	vst v2  }
0x32: {  	[tilespmem:$0x1FF60] =	vst v3;
	v3 =	vor.u32 $0x2, v1  }
0x33: {  	[tilespmem:$0x1FF70] =	vst v3;
	v3 =	vor.u32 $0x3, v1  }
0x34: {  	[tilespmem:$0x1FF80] =	vst v3;
	v3 =	vor.u32 $0x4, v1  }
0x35: {  	[tilespmem:$0x1FF90] =	vst v3;
	v3 =	vor.u32 $0x5, v1  }
0x36: {  	[tilespmem:$0x1FFA0] =	vst v3;
	v3 =	vor.u32 $0x6, v1  }
0x37: {  	[tilespmem:$0x1FFB0] =	vst v3;
	v3 =	vor.u32 $0x7, v1  }
0x38: {  	s3 =	sshll.u32 s1, $0x7;
	s4 =	sshll.u32 s1, $0xB;
	[tilespmem:$0x1FFC0] =	vst v3;
	v3 =	vor.u32 $0x8, v1  }
0x39: {  	v0 =	vimm.f32 $0.0e+00;
	s4 =	sshrl.u32 s4, $0x2;
	s7 =	sor.u32 $0x4000, s3;
	[tilespmem:$0x1FFD0] =	vst v3;
	v3 =	vor.u32 $0x9, v1  }
0x3a: {  	v15 =	vmov s4;
	v16 =	vmov s7;
	[tilespmem:$0x1FFE0] =	vst v3;
	v3 =	vor.u32 $0xA, v1  }
0x3b: {  	s6 =	simm.s32 $0x5080;
	s7 =	simm.s32 $0x0;
	v12 =	vor.u32 $0xB, v1;
	v13 =	vor.u32 $0xC, v1;
	s5 =	simm.s32 $0x0;
	v14 =	vor.u32 $0xD, v1;
	[tilespmem:$0x1FFF0] =	vst v3  }
.LBB2_3:
0x3c: {  	_ =	sdelay $0x2  }
0x3d: {  	s8 =	sshll.u32 s7, $0x4  }
0x3e: {  	v2 =	vld.idx.msk [tilespmem:v15+s8+$0x0 ss:$0x1], $0xffff  }
0x3f: {  	v3 =	vld.idx.msk [tilespmem:v15+s8+$0x80 ss:$0x1], $0xffff  }
0x40: {  	v4 =	vld.idx.msk [tilespmem:v15+s8+$0x100 ss:$0x1], $0xffff;
	_ =	sdelay $0x3  }
0x41: {  	v18 =	vmul.f32 $-2.000000000e+00, v2;
	v19 =	vmul.f32 $-2.000000000e+00, v3  }
0x42: {  	v20 =	vmul.f32 $-2.000000000e+00, v4  }
0x43: {  	v35 =	vbroadcast v18, $0x0;
	v28 =	vbroadcast v19, $0x0  }
0x44: {  	v22 =	vbroadcast v20, $0x0;
	v36 =	vbroadcast v18, $0x1  }
0x45: {  	v29 =	vbroadcast v19, $0x1;
	v23 =	vbroadcast v20, $0x1  }
0x46: {  	v37 =	vbroadcast v18, $0x2;
	v30 =	vbroadcast v19, $0x2  }
0x47: {  	s29 =	sand.u32 $0x70, s5;
	s9 =	sand.u32 $0x1E00, s5;
	v21 =	vbroadcast v20, $0x2;
	v38 =	vbroadcast v18, $0x3  }
0x48: {  	v17 =	vld.idx.msk [tilespmem:v16+s8+$0x0 ss:$0x1], $0xffff;
	s8 =	sor.u32 s29, s9;
	v31 =	vbroadcast v19, $0x3;
	v24 =	vbroadcast v20, $0x3  }
0x49: {  	v47 =	vld [tilespmem:s8+$0x2100];
	v39 =	vbroadcast v18, $0x4;
	v32 =	vbroadcast v19, $0x4  }
0x4a: {  	v2 =	vld [tilespmem:s8+$0x2000];
	v25 =	vbroadcast v20, $0x4;
	v40 =	vbroadcast v18, $0x5  }
0x4b: {  	v33 =	vbroadcast v19, $0x5;
	v26 =	vbroadcast v20, $0x5  }
0x4c: {  	v41 =	vbroadcast v18, $0x6;
	v34 =	vbroadcast v19, $0x6  }
0x4d: {  	v4 =	vld [tilespmem:s8+$0x2080];
	v27 =	vbroadcast v20, $0x6;
	v42 =	vbroadcast v20, $0x7  }
0x4e: {  	s30 =	simm.s32 $0x0;
	v45 =	vbroadcast v18, $0x7;
	v44 =	vbroadcast v19, $0x7  }
0x4f: {  	v3 =	vld [tilespmem:s30+$0x4800];
	v10 =	vmul.f32 v47, v42;
	v5 =	vmul.f32 v2, v35  }
0x50: {  	v43 =	vmul.f32 v2, v45;
	v48 =	vmul.f32 v2, v36  }
0x51: {  	v49 =	vmul.f32 v2, v37;
	v50 =	vmul.f32 v2, v38  }
0x52: {  	v51 =	vmul.f32 v4, v44;
	v52 =	vmul.f32 v2, v39  }
0x53: {  	v46 =	vimm.f32 $+Inf;
	v53 =	vmul.f32 v2, v40;
	v2 =	vmul.f32 v2, v41  }
0x54: {  	v54 =	vmul.f32 v4, v28;
	v55 =	vmul.f32 v4, v29;
	v43 =	vadd.f32 v3, v43  }
0x55: {  	v11 =	vmul.f32 v4, v30;
	v5 =	vadd.f32 v3, v5;
	v48 =	vadd.f32 v3, v48  }
0x56: {  	v56 =	vmul.f32 v4, v31;
	v49 =	vadd.f32 v3, v49;
	v50 =	vadd.f32 v3, v50  }
0x57: {  	v58 =	vmul.f32 v4, v33;
	v52 =	vadd.f32 v3, v52;
	v53 =	vadd.f32 v3, v53  }
0x58: {  	v63 =	vmul.f32 v4, v34;
	v60 =	vadd.f32 v3, v2;
	v43 =	vadd.f32 v43, v51  }
0x59: {  	v3 =	vmul.f32 v47, v22;
	v2 =	vadd.f32 v5, v54;
	v59 =	vadd.f32 v48, v55  }
0x5a: {  	v5 =	vmul.f32 v4, v32;
	v55 =	vadd.f32 v49, v11;
	v57 =	vadd.f32 v50, v56  }
0x5b: {  	v4 =	vmul.f32 v47, v23;
	v58 =	vadd.f32 v53, v58;
	v56 =	vadd.f32 v60, v63  }
0x5c: {  	v50 =	vimm.f32 $+Inf;
	v51 =	vimm.f32 $+Inf;
	v43 =	vadd.f32 v43, v10  }
0x5d: {  	s31 =	simm.s32 $0x10;
	s8 =	simm.s32 $0x40;
	v48 =	vimm.f32 $+Inf;
	v53 =	vimm.f32 $+Inf;
	v49 =	vimm.f32 $+Inf  }
0x5e: {  	s10 =	sand.u32 $0x70, s31;
	s9 =	simm.s32 $0x20;
	s11 =	sand.u32 $0x1E00, s8;
	v54 =	vadd.f32 v52, v5;
	v52 =	vimm.f32 $+Inf;
	v43 =	vmin.f32 v46, v43  }
.LBB2_4:
0x5f: {  	p0 =	seq.s32 s9, $0x7F0;
	s10 =	sor.u32 s10, s11;
	v2 =	vadd.f32 v2, v3;
	v3 =	vmul.f32 v47, v21;
	v5 =	vmul.f32 v47, v24  }
0x60: {  	s11 =	sshra.s32 s8, $0x2;
	v61 =	vmul.f32 v47, v26;
	v60 =	vld [tilespmem:s10+$0x2000];
	v4 =	vadd.f32 v59, v4;
	v59 =	vmul.f32 v47, v25  }
0x61: {  	v47 =	vmul.f32 v47, v27;
	v62 =	vld [tilespmem:s11+$0x4800];
	v3 =	vadd.f32 v55, v3;
	v5 =	vadd.f32 v57, v5  }
0x62: {  	v46 =	vmin.f32 v46, v2;
	v57 =	vld [tilespmem:s10+$0x2080];
	v2 =	vadd.f32 v54, v59;
	v54 =	vadd.f32 v58, v61  }
0x63: {  	v50 =	vmin.f32 v50, v4;
	v51 =	vmin.f32 v51, v3;
	v3 =	vadd.f32 v56, v47  }
0x64: {  	v48 =	vmin.f32 v48, v5;
	v47 =	vld [tilespmem:s10+$0x2100];
	v53 =	vmin.f32 v53, v2;
	v52 =	vmin.f32 v52, v54  }
0x65: {  	v2 =	vmul.f32 v60, v35;
	v4 =	vmul.f32 v60, v45;
	v49 =	vmin.f32 v49, v3  }
0x66: {  	v3 =	vmul.f32 v60, v36;
	v5 =	vmul.f32 v60, v37  }
0x67: {  	v54 =	vmul.f32 v60, v38;
	v4 =	vadd.f32 v62, v4;
	v55 =	vmul.f32 v57, v44  }
0x68: {  	v56 =	vmul.f32 v60, v39;
	v58 =	vmul.f32 v60, v40;
	v2 =	vadd.f32 v62, v2  }
0x69: {  	v59 =	vmul.f32 v60, v41;
	v4 =	vadd.f32 v4, v55;
	v55 =	vmul.f32 v47, v42  }
0x6a: {  	v60 =	vmul.f32 v57, v28;
	v3 =	vadd.f32 v62, v3;
	v5 =	vadd.f32 v62, v5  }
0x6b: {  	v61 =	vmul.f32 v57, v29;
	v54 =	vadd.f32 v62, v54;
	v4 =	vadd.f32 v4, v55  }
0x6c: {  	v56 =	vadd.f32 v62, v56;
	v58 =	vadd.f32 v62, v58;
	v55 =	vmul.f32 v57, v30  }
.Ltmp1:
0x6d: {  	v63 =	vmul.f32 v57, v31;
	v62 =	vadd.f32 v62, v59;
	v43 =	vmin.f32 v43, v4;
	(pc) =	sbr.rel @!p0 .LBB2_4-.Ltmp1, $4  }
0x6e: {  	v2 =	vadd.f32 v2, v60;
	v60 =	vmul.f32 v57, v33;
	v4 =	vmul.f32 v57, v32  }
0x6f: {  	v59 =	vadd.f32 v3, v61;
	v55 =	vadd.f32 v5, v55;
	v5 =	vmul.f32 v57, v34  }
0x70: {  	s8 =	sadd.s32 $0x40, s8;
	v3 =	vmul.f32 v47, v22;
	v57 =	vadd.f32 v54, v63;
	v54 =	vadd.f32 v56, v4  }
0x71: {  	s11 =	sand.u32 $0x1E00, s8;
	s10 =	sand.u32 $0x70, s9;
	s9 =	sadd.s32 $0x10, s9;
	v58 =	vadd.f32 v58, v60;
	v4 =	vmul.f32 v47, v23;
	v56 =	vadd.f32 v62, v5  }
0x72: {  	s9 =	sor.u32 s10, s11;
	v5 =	vmul.f32 v47, v24  }
0x73: {  	v2 =	vadd.f32 v2, v3;
	v3 =	vmul.f32 v47, v21;
	v9 =	vmul.f32 v47, v27;
	v60 =	vld [tilespmem:s9+$0x2000]  }
0x74: {  	v8 =	vmul.f32 v47, v25;
	v4 =	vadd.f32 v59, v4;
	v5 =	vadd.f32 v57, v5  }
0x75: {  	v61 =	vmul.f32 v47, v26;
	v3 =	vadd.f32 v55, v3;
	v47 =	vadd.f32 v56, v9  }
0x76: {  	v10 =	vld [tilespmem:s9+$0x2080];
	v4 =	vmin.f32 v50, v4;
	v50 =	vbroadcast v19, $0xF;
	v5 =	vmin.f32 v48, v5  }
0x77: {  	v47 =	vmin.f32 v49, v47;
	v48 =	vbroadcast v18, $0xD;
	v49 =	vbroadcast v18, $0xE  }
0x78: {  	v3 =	vmin.f32 v51, v3;
	v51 =	vbroadcast v18, $0xF;
	v35 =	vmul.f32 v60, v35  }
0x79: {  	s8 =	sshra.s32 s8, $0x2;
	v45 =	vmul.f32 v60, v45;
	v36 =	vmul.f32 v60, v36  }
0x7a: {  	v62 =	vld [tilespmem:s8+$0x4800];
	v37 =	vmul.f32 v60, v37;
	v38 =	vmul.f32 v60, v38  }
0x7b: {  	v57 =	vadd.f32 v58, v61;
	v58 =	vld [tilespmem:s9+$0x2100];
	v44 =	vmul.f32 v10, v44;
	v39 =	vmul.f32 v60, v39  }
0x7c: {  	v11 =	vadd.f32 v54, v8;
	v40 =	vmul.f32 v60, v40;
	v41 =	vmul.f32 v60, v41  }
0x7d: {  	v2 =	vmin.f32 v46, v2;
	v28 =	vmul.f32 v10, v28;
	v29 =	vmul.f32 v10, v29  }
0x7e: {  	v46 =	vmin.f32 v53, v11;
	v30 =	vmul.f32 v10, v30;
	v31 =	vmul.f32 v10, v31  }
0x7f: {  	v59 =	vmin.f32 v52, v57;
	v32 =	vmul.f32 v10, v32;
	v33 =	vmul.f32 v10, v33  }
0x80: {  	v34 =	vmul.f32 v10, v34;
	v42 =	vmul.f32 v58, v42;
	v45 =	vadd.f32 v62, v45  }
0x81: {  	v22 =	vmul.f32 v58, v22;
	v35 =	vadd.f32 v62, v35;
	v36 =	vadd.f32 v62, v36  }
0x82: {  	v23 =	vmul.f32 v58, v23;
	v37 =	vadd.f32 v62, v37;
	v38 =	vadd.f32 v62, v38  }
0x83: {  	v21 =	vmul.f32 v58, v21;
	v39 =	vadd.f32 v62, v39;
	v40 =	vadd.f32 v62, v40  }
0x84: {  	v24 =	vmul.f32 v58, v24;
	v41 =	vadd.f32 v62, v41;
	v44 =	vadd.f32 v45, v44  }
0x85: {  	v25 =	vmul.f32 v58, v25;
	v28 =	vadd.f32 v35, v28;
	v29 =	vadd.f32 v36, v29  }
0x86: {  	v27 =	vmul.f32 v58, v27;
	v30 =	vadd.f32 v37, v30;
	v31 =	vadd.f32 v38, v31  }
0x87: {  	v32 =	vadd.f32 v39, v32;
	v38 =	vbroadcast v19, $0x8;
	v45 =	vbroadcast v18, $0x9  }
0x88: {  	v33 =	vadd.f32 v40, v33;
	v39 =	vbroadcast v19, $0x9;
	v36 =	vbroadcast v19, $0xA  }
0x89: {  	v34 =	vadd.f32 v41, v34;
	v37 =	vbroadcast v19, $0xB;
	v35 =	vbroadcast v20, $0xB  }
0x8a: {  	v40 =	vbroadcast v19, $0xC;
	v41 =	vbroadcast v19, $0xD;
	v42 =	vadd.f32 v44, v42  }
0x8b: {  	v22 =	vadd.f32 v28, v22;
	v23 =	vadd.f32 v29, v23;
	v28 =	vmul.f32 v58, v26  }
0x8c: {  	s28 =	simm.s32 $0x0;
	v29 =	vadd.f32 v30, v21;
	v24 =	vadd.f32 v31, v24;
	v31 =	vbroadcast v20, $0x8  }
0x8d: {  	s29 =	sand.u32 $0x70, s28;
	s8 =	sand.u32 $0x1E00, s28;
	v30 =	vadd.f32 v32, v25;
	v44 =	vbroadcast v18, $0xA;
	v32 =	vbroadcast v20, $0xE  }
0x8e: {  	s8 =	sor.u32 s29, s8;
	v21 =	vmin.f32 v43, v42;
	v26 =	vmin.f32 v2, v22;
	v2 =	vadd.f32 v33, v28  }
0x8f: {  	v52 =	vld [tilespmem:s8+$0x2100];
	v22 =	vadd.f32 v34, v27;
	v27 =	vmin.f32 v4, v23;
	v25 =	vmin.f32 v5, v24  }
0x90: {  	v24 =	vmin.f32 v46, v30;
	v43 =	vbroadcast v18, $0x8;
	v33 =	vbroadcast v20, $0x9;
	v4 =	vld [tilespmem:s8+$0x2080]  }
0x91: {  	v34 =	vbroadcast v20, $0xA;
	v46 =	vbroadcast v18, $0xB;
	v23 =	vmin.f32 v59, v2;
	v2 =	vld [tilespmem:s8+$0x2000]  }
0x92: {  	v22 =	vmin.f32 v47, v22;
	v47 =	vbroadcast v18, $0xC;
	v18 =	vbroadcast v20, $0xF  }
0x93: {  	s30 =	simm.s32 $0x0;
	v28 =	vmin.f32 v3, v29;
	v29 =	vbroadcast v20, $0xC;
	v30 =	vbroadcast v20, $0xD  }
0x94: {  	v42 =	vbroadcast v19, $0xE;
	v3 =	vld [tilespmem:s30+$0x4800];
	v10 =	vmul.f32 v52, v18  }
0x95: {  	v63 =	vmul.f32 v4, v50;
	v59 =	vmul.f32 v4, v38  }
0x96: {  	v5 =	vmul.f32 v2, v43;
	v19 =	vmul.f32 v2, v51  }
0x97: {  	v56 =	vimm.f32 $+Inf;
	v61 =	vmul.f32 v2, v45;
	v62 =	vmul.f32 v2, v44  }
0x98: {  	v20 =	vimm.f32 $+Inf;
	v9 =	vmul.f32 v2, v46;
	v57 =	vmul.f32 v2, v47  }
0x99: {  	v8 =	vmul.f32 v2, v48;
	v19 =	vadd.f32 v3, v19;
	v5 =	vadd.f32 v3, v5  }
0x9a: {  	v2 =	vmul.f32 v2, v49;
	v53 =	vadd.f32 v3, v61;
	v54 =	vadd.f32 v3, v62  }
0x9b: {  	v11 =	vmul.f32 v4, v39;
	v55 =	vadd.f32 v3, v9;
	v57 =	vadd.f32 v3, v57  }
0x9c: {  	v9 =	vmul.f32 v4, v36;
	v58 =	vadd.f32 v3, v8;
	v6 =	vadd.f32 v3, v2  }
0x9d: {  	v19 =	vadd.f32 v19, v63;
	v2 =	vadd.f32 v5, v59;
	v5 =	vmul.f32 v4, v40  }
0x9e: {  	v63 =	vmul.f32 v4, v41;
	v3 =	vadd.f32 v53, v11;
	v61 =	vadd.f32 v54, v9  }
0x9f: {  	v11 =	vmul.f32 v4, v42;
	v54 =	vimm.f32 $+Inf;
	v53 =	vimm.f32 $+Inf  }
0xa0: {  	v19 =	vadd.f32 v19, v10;
	v10 =	vmul.f32 v4, v37;
	v4 =	vmul.f32 v52, v31  }
0xa1: {  	v59 =	vadd.f32 v57, v5;
	v5 =	vmul.f32 v52, v33;
	v63 =	vadd.f32 v58, v63  }
0xa2: {  	s31 =	simm.s32 $0x10;
	s8 =	simm.s32 $0x40;
	v60 =	vadd.f32 v6, v11;
	v57 =	vimm.f32 $+Inf;
	v58 =	vimm.f32 $+Inf  }
0xa3: {  	s10 =	sand.u32 $0x70, s31;
	s9 =	simm.s32 $0x20;
	s11 =	sand.u32 $0x1E00, s8;
	v19 =	vmin.f32 v20, v19;
	v62 =	vadd.f32 v55, v10;
	v55 =	vimm.f32 $+Inf  }
.LBB2_6:
0xa4: {  	p0 =	sne.s32 s9, $0x7F0;
	s10 =	sor.u32 s10, s11;
	v2 =	vadd.f32 v2, v4;
	v4 =	vmul.f32 v52, v34;
	v6 =	vmul.f32 v52, v35  }
0xa5: {  	s11 =	sshra.s32 s8, $0x2;
	v8 =	vmul.f32 v52, v30;
	v7 =	vld [tilespmem:s10+$0x2000];
	v3 =	vadd.f32 v3, v5;
	v5 =	vmul.f32 v52, v29  }
0xa6: {  	v52 =	vmul.f32 v52, v32;
	v9 =	vld [tilespmem:s11+$0x4800];
	v4 =	vadd.f32 v61, v4;
	v6 =	vadd.f32 v62, v6  }
0xa7: {  	v20 =	vmin.f32 v20, v2;
	v62 =	vld [tilespmem:s10+$0x2080];
	v2 =	vadd.f32 v59, v5;
	v5 =	vadd.f32 v63, v8  }
0xa8: {  	v55 =	vmin.f32 v55, v3;
	v3 =	vadd.f32 v60, v52;
	v56 =	vmin.f32 v56, v4  }
0xa9: {  	v54 =	vmin.f32 v54, v6;
	v52 =	vld [tilespmem:s10+$0x2100];
	v57 =	vmin.f32 v57, v2;
	v58 =	vmin.f32 v58, v5  }
0xaa: {  	v53 =	vmin.f32 v53, v3;
	v2 =	vmul.f32 v7, v43;
	v4 =	vmul.f32 v7, v51  }
0xab: {  	v3 =	vmul.f32 v7, v45;
	v5 =	vmul.f32 v7, v44  }
0xac: {  	v6 =	vmul.f32 v7, v46;
	v4 =	vadd.f32 v9, v4;
	v8 =	vmul.f32 v62, v50  }
0xad: {  	v59 =	vmul.f32 v7, v47;
	v60 =	vmul.f32 v7, v48;
	v2 =	vadd.f32 v9, v2  }
0xae: {  	v7 =	vmul.f32 v7, v49;
	v4 =	vadd.f32 v4, v8;
	v8 =	vmul.f32 v52, v18  }
0xaf: {  	v61 =	vmul.f32 v62, v38;
	v3 =	vadd.f32 v9, v3;
	v5 =	vadd.f32 v9, v5  }
0xb0: {  	v63 =	vmul.f32 v62, v39;
	v6 =	vadd.f32 v9, v6;
	v4 =	vadd.f32 v4, v8  }
0xb1: {  	v59 =	vadd.f32 v9, v59;
	v60 =	vadd.f32 v9, v60;
	v8 =	vmul.f32 v62, v36  }
.Ltmp2:
0xb2: {  	v10 =	vmul.f32 v62, v37;
	v7 =	vadd.f32 v9, v7;
	v19 =	vmin.f32 v19, v4;
	(pc) =	sbr.rel @p0 .LBB2_6-.Ltmp2, $4  }
0xb3: {  	v9 =	vmul.f32 v62, v40;
	v11 =	vmul.f32 v62, v41;
	v2 =	vadd.f32 v2, v61  }
0xb4: {  	v3 =	vadd.f32 v3, v63;
	v61 =	vadd.f32 v5, v8;
	v8 =	vmul.f32 v62, v42  }
0xb5: {  	s8 =	sadd.s32 $0x40, s8;
	v59 =	vadd.f32 v59, v9;
	v4 =	vmul.f32 v52, v31;
	v62 =	vadd.f32 v6, v10  }
0xb6: {  	s11 =	sand.u32 $0x1E00, s8;
	s10 =	sand.u32 $0x70, s9;
	s9 =	sadd.s32 $0x10, s9;
	v63 =	vadd.f32 v60, v11;
	v5 =	vmul.f32 v52, v33;
	v60 =	vadd.f32 v7, v8  }
0xb7: {  	s9 =	sor.u32 s10, s11;
	v9 =	vmul.f32 v52, v30  }
0xb8: {  	s8 =	sshra.s32 s8, $0x2;
	v8 =	vld [tilespmem:s9+$0x2000]  }
0xb9: {  	v3 =	vadd.f32 v3, v5;
	v5 =	vld [tilespmem:s8+$0x4800];
	v9 =	vadd.f32 v63, v9  }
0xba: {  	v6 =	vmul.f32 v52, v34;
	v7 =	vmul.f32 v52, v35;
	v10 =	vld [tilespmem:s9+$0x2080]  }
0xbb: {  	v2 =	vadd.f32 v2, v4;
	v4 =	vmul.f32 v52, v29;
	v9 =	vmin.f32 v58, v9;
	v58 =	vld [tilespmem:s9+$0x2100]  }
0xbc: {  	v11 =	vmul.f32 v52, v32;
	v6 =	vadd.f32 v61, v6  }
0xbd: {  	v7 =	vadd.f32 v62, v7;
	v4 =	vadd.f32 v59, v4;
	v48 =	vmul.f32 v8, v48  }
0xbe: {  	v11 =	vadd.f32 v60, v11;
	v60 =	vld [tilespmem:$0x1FF60];
	v45 =	vmul.f32 v8, v45;
	v44 =	vmul.f32 v8, v44  }
0xbf: {  	v61 =	vld [tilespmem:$0x1FF70];
	v46 =	vmul.f32 v8, v46;
	v41 =	vmul.f32 v10, v41;
	v48 =	vadd.f32 v5, v48  }
0xc0: {  	v36 =	vmul.f32 v10, v36;
	v44 =	vadd.f32 v5, v44;
	v63 =	vmul.f32 v58, v33;
	v33 =	vld [tilespmem:$0x1FF80]  }
0xc1: {  	v39 =	vmul.f32 v10, v39;
	v45 =	vadd.f32 v5, v45;
	v59 =	vadd.f32 v48, v41;
	v41 =	vld [tilespmem:$0x1FF90]  }
0xc2: {  	v37 =	vmul.f32 v10, v37;
	v46 =	vadd.f32 v5, v46;
	v36 =	vadd.f32 v44, v36;
	v44 =	vld [tilespmem:$0x1FFA0]  }
0xc3: {  	v2 =	vmin.f32 v20, v2;
	v6 =	vmin.f32 v56, v6;
	v39 =	vadd.f32 v45, v39;
	v45 =	vld [tilespmem:$0x1FFB0]  }
0xc4: {  	v4 =	vmin.f32 v57, v4;
	v37 =	vadd.f32 v46, v37;
	v46 =	vmul.f32 v58, v18;
	v18 =	vld [tilespmem:$0x1FFC0]  }
0xc5: {  	[tilespmem:v1+s6+$0x0] =	vst.idx.msk $0xffff, v26;
	v56 =	vmul.f32 v8, v51;
	v43 =	vmul.f32 v8, v43  }
0xc6: {  	v47 =	vmul.f32 v8, v47;
	v8 =	vmul.f32 v8, v49;
	v49 =	vld [tilespmem:$0x1FFD0];
	[tilespmem:v60+s6+$0x0] =	vst.idx.msk $0xffff, v27  }
0xc7: {  	v38 =	vmul.f32 v10, v38;
	v43 =	vadd.f32 v5, v43;
	[tilespmem:v61+s6+$0x0] =	vst.idx.msk $0xffff, v28  }
0xc8: {  	v50 =	vmul.f32 v10, v50;
	v40 =	vmul.f32 v10, v40;
	[tilespmem:v33+s6+$0x0] =	vst.idx.msk $0xffff, v25  }
0xc9: {  	v62 =	vmul.f32 v58, v31;
	v57 =	vadd.f32 v43, v38;
	[tilespmem:v41+s6+$0x0] =	vst.idx.msk $0xffff, v24  }
0xca: {  	v20 =	vadd.f32 v5, v56;
	v47 =	vadd.f32 v5, v47;
	[tilespmem:v44+s6+$0x0] =	vst.idx.msk $0xffff, v23  }
0xcb: {  	v5 =	vadd.f32 v5, v8;
	v8 =	vadd.f32 v57, v62;
	[tilespmem:v45+s6+$0x0] =	vst.idx.msk $0xffff, v22  }
0xcc: {  	v40 =	vadd.f32 v47, v40;
	[tilespmem:v18+s6+$0x0] =	vst.idx.msk $0xffff, v21;
	v18 =	vmul.f32 v58, v29  }
0xcd: {  	v20 =	vadd.f32 v20, v50;
	v50 =	vld [tilespmem:$0x1FFE0];
	v2 =	vmin.f32 v2, v8  }
0xce: {  	[tilespmem:v49+s6+$0x0] =	vst.idx.msk $0xffff, v2;
	v2 =	vadd.f32 v40, v18;
	v18 =	vld [tilespmem:$0x1FFF0];
	_ =	sdelay $0x2  }
0xcf: {  	v3 =	vmin.f32 v55, v3;
	v10 =	vmul.f32 v10, v42;
	v34 =	vmul.f32 v58, v34  }
0xd0: {  	v7 =	vmin.f32 v54, v7;
	v35 =	vmul.f32 v58, v35;
	v39 =	vadd.f32 v39, v63  }
0xd1: {  	v11 =	vmin.f32 v53, v11;
	v5 =	vadd.f32 v5, v10;
	v42 =	vadd.f32 v36, v34  }
0xd2: {  	v47 =	vmul.f32 v58, v30;
	v43 =	vadd.f32 v37, v35;
	v3 =	vmin.f32 v3, v39  }
0xd3: {  	v48 =	vmul.f32 v58, v32;
	v6 =	vmin.f32 v6, v42;
	[tilespmem:v50+s6+$0x0] =	vst.idx.msk $0xffff, v3;
	v3 =	vor.u32 $0xE, v1  }
0xd4: {  	v52 =	vor.u32 $0xF, v1;
	v51 =	vadd.f32 v59, v47;
	v7 =	vmin.f32 v7, v43;
	[tilespmem:v18+s6+$0x0] =	vst.idx.msk $0xffff, v6  }
0xd5: {  	v5 =	vadd.f32 v5, v48;
	v2 =	vmin.f32 v4, v2;
	[tilespmem:v12+s6+$0x0] =	vst.idx.msk $0xffff, v7  }
0xd6: {  	v53 =	vadd.f32 v20, v46;
	v54 =	vmin.f32 v9, v51;
	[tilespmem:v13+s6+$0x0] =	vst.idx.msk $0xffff, v2  }
0xd7: {  	v2 =	vmin.f32 v11, v5;
	[tilespmem:v14+s6+$0x0] =	vst.idx.msk $0xffff, v54  }
0xd8: {  	v4 =	vmin.f32 v19, v53;
	[tilespmem:v3+s6+$0x0] =	vst.idx.msk $0xffff, v2  }
0xd9: {  	[tilespmem:v52+s6+$0x0] =	vst.idx.msk $0xffff, v4  }
0xda: {  	v2 =	vld [tilespmem:$0x5080]  }
0xdb: {  	v3 =	vld [tilespmem:$0x5090]  }
0xdc: {  	v4 =	vld [tilespmem:$0x50A0]  }
0xdd: {  	v55 =	vld [tilespmem:$0x50B0]  }
0xde: {  	v6 =	vld [tilespmem:$0x50C0]  }
0xdf: {  	v7 =	vld [tilespmem:$0x50D0]  }
0xe0: {  	v2 =	vmin.f32 v2, v3;
	v3 =	vld [tilespmem:$0x50E0]  }
0xe1: {  	v56 =	vld [tilespmem:$0x50F0];
	v2 =	vmin.f32 v2, v4  }
0xe2: {  	v57 =	vld [tilespmem:$0x5100];
	v2 =	vmin.f32 v2, v55  }
0xe3: {  	v58 =	vld [tilespmem:$0x5110];
	v2 =	vmin.f32 v2, v6  }
0xe4: {  	v59 =	vld [tilespmem:$0x5120];
	v2 =	vmin.f32 v2, v7  }
0xe5: {  	v2 =	vmin.f32 v2, v3;
	v3 =	vld [tilespmem:$0x5130]  }
0xe6: {  	v60 =	vld [tilespmem:$0x5140];
	v2 =	vmin.f32 v2, v56  }
0xe7: {  	v61 =	vld [tilespmem:$0x5150];
	v2 =	vmin.f32 v2, v57  }
0xe8: {  	v62 =	vld [tilespmem:$0x5160];
	v2 =	vmin.f32 v2, v58  }
0xe9: {  	v63 =	vld [tilespmem:$0x5170];
	v2 =	vmin.f32 v2, v59  }
0xea: {  	v2 =	vmin.f32 v2, v3  }
0xeb: {  	v2 =	vmin.f32 v2, v60  }
0xec: {  	s7 =	sadd.s32 $0x1, s7;
	v2 =	vmin.f32 v2, v61  }
0xed: {  	p0 =	sne.s32 s7, $0x8;
	v2 =	vmin.f32 v2, v62  }
.Ltmp3:
0xee: {  	v2 =	vmin.f32 v2, v63;
	(pc) =	sbr.rel @p0 .LBB2_3-.Ltmp3, $3  }
0xef: {  	v2 =	vadd.f32 v2, v17;
	_ =	sdelay $0x1  }
0xf0: {  	v2 =	vmax.f32 v2, $0.0e+00  }
0xf1: {  	v0 =	vadd.f32 v2, v0  }
0xf2: {  	v1 =	vlaneseq.u32  }
0xf3: {  	s5 =	sor.u32 $0x2000, s4;
	v1 =	vmul.u32 $0x10, v1  }
0xf4: {  	s6 =	sor.u32 $0x4800, s3;
	v4 =	vmov s5  }
0xf5: {  	s3 =	simm.s32 $0x0;
	s4 =	simm.s32 $0x5080;
	v5 =	vmov s6;
	s5 =	simm.s32 $0x0;
	v2 =	vor.u32 $0x1, v1;
	v3 =	vor.u32 $0x2, v1  }
.LBB2_9:
0xf6: {  	_ =	sdelay $0x2  }
0xf7: {  	s6 =	sshll.u32 s5, $0x4  }
0xf8: {  	v6 =	vld.idx.msk [tilespmem:v4+s6+$0x0 ss:$0x1], $0xffff  }
0xf9: {  	v8 =	vld.idx.msk [tilespmem:v4+s6+$0x80 ss:$0x1], $0xffff  }
0xfa: {  	v9 =	vld.idx.msk [tilespmem:v4+s6+$0x100 ss:$0x1], $0xffff;
	_ =	sdelay $0x3  }
0xfb: {  	v7 =	vmul.f32 $-2.000000000e+00, v6;
	v8 =	vmul.f32 $-2.000000000e+00, v8  }
0xfc: {  	v9 =	vmul.f32 $-2.000000000e+00, v9  }
0xfd: {  	v24 =	vbroadcast v7, $0x0;
	v17 =	vbroadcast v8, $0x0  }
0xfe: {  	v11 =	vbroadcast v9, $0x0;
	v25 =	vbroadcast v7, $0x1  }
0xff: {  	v18 =	vbroadcast v8, $0x1;
	v12 =	vbroadcast v9, $0x1  }
0x100: {  	v26 =	vbroadcast v7, $0x2;
	v19 =	vbroadcast v8, $0x2  }
0x101: {  	v10 =	vbroadcast v9, $0x2;
	v27 =	vbroadcast v7, $0x3  }
0x102: {  	s29 =	sand.u32 $0x70, s3;
	s7 =	sand.u32 $0x1E00, s3;
	v20 =	vbroadcast v8, $0x3;
	v13 =	vbroadcast v9, $0x3  }
0x103: {  	v6 =	vld.idx.msk [tilespmem:v5+s6+$0x0 ss:$0x1], $0xffff;
	s6 =	sor.u32 s29, s7;
	v28 =	vbroadcast v7, $0x4;
	v21 =	vbroadcast v8, $0x4  }
0x104: {  	v32 =	vld [tilespmem:s6+$0x0];
	v14 =	vbroadcast v9, $0x4;
	v29 =	vbroadcast v7, $0x5  }
0x105: {  	v22 =	vbroadcast v8, $0x5;
	v15 =	vbroadcast v9, $0x5  }
0x106: {  	v38 =	vld [tilespmem:s6+$0x80];
	v30 =	vbroadcast v7, $0x6;
	v23 =	vbroadcast v8, $0x6  }
0x107: {  	v16 =	vbroadcast v9, $0x6;
	v34 =	vbroadcast v7, $0x7  }
0x108: {  	s30 =	simm.s32 $0x0;
	v36 =	vld [tilespmem:s6+$0x100];
	v33 =	vbroadcast v8, $0x7;
	v31 =	vbroadcast v9, $0x7  }
0x109: {  	v37 =	vld [tilespmem:s30+$0x4000];
	v39 =	vmul.f32 v32, v24;
	v40 =	vmul.f32 v32, v34  }
0x10a: {  	v41 =	vmul.f32 v32, v25;
	v42 =	vmul.f32 v32, v26  }
0x10b: {  	v43 =	vmul.f32 v32, v27;
	v44 =	vmul.f32 v38, v33  }
0x10c: {  	v45 =	vmul.f32 v32, v28;
	v46 =	vmul.f32 v32, v29  }
0x10d: {  	v35 =	vimm.f32 $+Inf;
	v32 =	vmul.f32 v32, v30;
	v59 =	vmul.f32 v36, v31  }
0x10e: {  	v47 =	vmul.f32 v38, v17;
	v48 =	vmul.f32 v38, v18;
	v40 =	vadd.f32 v37, v40  }
0x10f: {  	v60 =	vmul.f32 v38, v19;
	v39 =	vadd.f32 v37, v39;
	v41 =	vadd.f32 v37, v41  }
0x110: {  	v61 =	vmul.f32 v38, v20;
	v42 =	vadd.f32 v37, v42;
	v43 =	vadd.f32 v37, v43  }
0x111: {  	v62 =	vmul.f32 v38, v21;
	v45 =	vadd.f32 v37, v45;
	v52 =	vadd.f32 v37, v46  }
0x112: {  	v63 =	vmul.f32 v38, v22;
	v37 =	vadd.f32 v37, v32;
	v40 =	vadd.f32 v40, v44  }
0x113: {  	v38 =	vmul.f32 v38, v23;
	v49 =	vadd.f32 v39, v47;
	v48 =	vadd.f32 v41, v48  }
0x114: {  	v50 =	vmul.f32 v36, v11;
	v44 =	vadd.f32 v42, v60;
	v46 =	vadd.f32 v43, v61  }
0x115: {  	v51 =	vmul.f32 v36, v12;
	v43 =	vadd.f32 v45, v62;
	v47 =	vadd.f32 v52, v63  }
0x116: {  	v45 =	vadd.f32 v37, v38;
	v39 =	vimm.f32 $+Inf;
	v40 =	vadd.f32 v40, v59  }
0x117: {  	s31 =	simm.s32 $0x10;
	s6 =	simm.s32 $0x40;
	v37 =	vimm.f32 $+Inf;
	v42 =	vimm.f32 $+Inf;
	v41 =	vimm.f32 $+Inf  }
0x118: {  	s8 =	sand.u32 $0x70, s31;
	s7 =	simm.s32 $0x20;
	s9 =	sand.u32 $0x1E00, s6;
	v38 =	vimm.f32 $+Inf;
	v32 =	vmin.f32 v35, v40;
	v40 =	vimm.f32 $+Inf  }
.LBB2_10:
0x119: {  	p0 =	seq.s32 s7, $0x7F0;
	s8 =	sor.u32 s8, s9;
	v49 =	vadd.f32 v49, v50;
	v50 =	vmul.f32 v36, v10;
	v52 =	vmul.f32 v36, v13  }
0x11a: {  	s9 =	sshra.s32 s6, $0x2;
	v54 =	vmul.f32 v36, v15;
	v53 =	vld [tilespmem:s8+$0x0];
	v48 =	vadd.f32 v48, v51;
	v51 =	vmul.f32 v36, v14  }
0x11b: {  	v36 =	vmul.f32 v36, v16;
	v55 =	vld [tilespmem:s9+$0x4000];
	v44 =	vadd.f32 v44, v50;
	v46 =	vadd.f32 v46, v52  }
0x11c: {  	v35 =	vmin.f32 v35, v49;
	v47 =	vadd.f32 v47, v54;
	v50 =	vld [tilespmem:s8+$0x80];
	v43 =	vadd.f32 v43, v51  }
0x11d: {  	v39 =	vmin.f32 v39, v48;
	v40 =	vmin.f32 v40, v44;
	v44 =	vadd.f32 v45, v36  }
0x11e: {  	v37 =	vmin.f32 v37, v46;
	v41 =	vmin.f32 v41, v47;
	v36 =	vld [tilespmem:s8+$0x100];
	v42 =	vmin.f32 v42, v43  }
0x11f: {  	v43 =	vmul.f32 v53, v24;
	v45 =	vmul.f32 v53, v34;
	v38 =	vmin.f32 v38, v44  }
0x120: {  	v44 =	vmul.f32 v53, v25;
	v46 =	vmul.f32 v53, v26  }
0x121: {  	v47 =	vmul.f32 v53, v27;
	v45 =	vadd.f32 v55, v45;
	v48 =	vmul.f32 v50, v33  }
0x122: {  	v49 =	vmul.f32 v53, v28;
	v51 =	vmul.f32 v53, v29;
	v43 =	vadd.f32 v55, v43  }
0x123: {  	v52 =	vmul.f32 v53, v30;
	v45 =	vadd.f32 v45, v48;
	v48 =	vmul.f32 v36, v31  }
0x124: {  	v53 =	vmul.f32 v50, v17;
	v44 =	vadd.f32 v55, v44;
	v46 =	vadd.f32 v55, v46  }
0x125: {  	v54 =	vmul.f32 v50, v18;
	v47 =	vadd.f32 v55, v47;
	v45 =	vadd.f32 v45, v48  }
0x126: {  	v56 =	vmul.f32 v50, v19;
	v57 =	vadd.f32 v55, v49;
	v58 =	vadd.f32 v55, v51  }
.Ltmp4:
0x127: {  	v51 =	vmul.f32 v50, v20;
	v52 =	vadd.f32 v55, v52;
	v32 =	vmin.f32 v32, v45;
	(pc) =	sbr.rel @!p0 .LBB2_10-.Ltmp4, $4  }
0x128: {  	v49 =	vadd.f32 v43, v53;
	v43 =	vmul.f32 v50, v21;
	v45 =	vmul.f32 v50, v22  }
0x129: {  	v53 =	vmul.f32 v50, v23;
	v48 =	vadd.f32 v44, v54;
	v44 =	vadd.f32 v46, v56  }
0x12a: {  	s6 =	sadd.s32 $0x40, s6;
	v46 =	vadd.f32 v47, v51;
	v43 =	vadd.f32 v57, v43;
	v50 =	vmul.f32 v36, v11  }
0x12b: {  	s9 =	sand.u32 $0x1E00, s6;
	s8 =	sand.u32 $0x70, s7;
	s7 =	sadd.s32 $0x10, s7;
	v51 =	vmul.f32 v36, v12;
	v47 =	vadd.f32 v58, v45;
	v45 =	vadd.f32 v52, v53  }
0x12c: {  	s7 =	sor.u32 s8, s9  }
0x12d: {  	v63 =	vmul.f32 v36, v16;
	v53 =	vld [tilespmem:s7+$0x0]  }
0x12e: {  	v61 =	vmul.f32 v36, v10;
	v52 =	vmul.f32 v36, v13  }
0x12f: {  	v62 =	vmul.f32 v36, v14;
	v54 =	vmul.f32 v36, v15;
	v36 =	vadd.f32 v45, v63  }
0x130: {  	v49 =	vadd.f32 v49, v50;
	v46 =	vadd.f32 v46, v52;
	v52 =	vld [tilespmem:s7+$0x80]  }
0x131: {  	v47 =	vadd.f32 v47, v54;
	v54 =	vld [tilespmem:s7+$0x100];
	v36 =	vmin.f32 v38, v36;
	v38 =	vbroadcast v7, $0xE  }
0x132: {  	v48 =	vadd.f32 v48, v51;
	v24 =	vmul.f32 v53, v24;
	v34 =	vmul.f32 v53, v34  }
0x133: {  	v44 =	vadd.f32 v44, v61;
	v25 =	vmul.f32 v53, v25;
	v26 =	vmul.f32 v53, v26  }
0x134: {  	v35 =	vmin.f32 v35, v49;
	v27 =	vmul.f32 v53, v27;
	v28 =	vmul.f32 v53, v28  }
0x135: {  	s6 =	sshra.s32 s6, $0x2;
	v43 =	vadd.f32 v43, v62;
	v29 =	vmul.f32 v53, v29;
	v30 =	vmul.f32 v53, v30  }
0x136: {  	v55 =	vld [tilespmem:s6+$0x4000];
	v39 =	vmin.f32 v39, v48;
	v33 =	vmul.f32 v52, v33;
	v31 =	vmul.f32 v54, v31  }
0x137: {  	v40 =	vmin.f32 v40, v44;
	v17 =	vmul.f32 v52, v17;
	v18 =	vmul.f32 v52, v18  }
0x138: {  	v37 =	vmin.f32 v37, v46;
	v19 =	vmul.f32 v52, v19;
	v20 =	vmul.f32 v52, v20  }
0x139: {  	v42 =	vmin.f32 v42, v43;
	v21 =	vmul.f32 v52, v21;
	v22 =	vmul.f32 v52, v22  }
0x13a: {  	v41 =	vmin.f32 v41, v47;
	v23 =	vmul.f32 v52, v23;
	v11 =	vmul.f32 v54, v11  }
0x13b: {  	v12 =	vmul.f32 v54, v12;
	v34 =	vadd.f32 v55, v34;
	v24 =	vadd.f32 v55, v24  }
0x13c: {  	v10 =	vmul.f32 v54, v10;
	v25 =	vadd.f32 v55, v25;
	v26 =	vadd.f32 v55, v26  }
0x13d: {  	v13 =	vmul.f32 v54, v13;
	v27 =	vadd.f32 v55, v27;
	v28 =	vadd.f32 v55, v28  }
0x13e: {  	v14 =	vmul.f32 v54, v14;
	v29 =	vadd.f32 v55, v29;
	v30 =	vadd.f32 v55, v30  }
0x13f: {  	v15 =	vmul.f32 v54, v15;
	v33 =	vadd.f32 v34, v33;
	v17 =	vadd.f32 v24, v17  }
0x140: {  	s28 =	simm.s32 $0x0;
	v16 =	vmul.f32 v54, v16;
	v18 =	vadd.f32 v25, v18;
	v19 =	vadd.f32 v26, v19  }
0x141: {  	s29 =	sand.u32 $0x70, s28;
	s6 =	sand.u32 $0x1E00, s28;
	v20 =	vadd.f32 v27, v20;
	v21 =	vadd.f32 v28, v21;
	v25 =	vbroadcast v8, $0x8  }
0x142: {  	s6 =	sor.u32 s29, s6;
	v22 =	vadd.f32 v29, v22;
	v24 =	vbroadcast v9, $0x8;
	v26 =	vbroadcast v8, $0x9  }
0x143: {  	v43 =	vld [tilespmem:s6+$0x80];
	v23 =	vadd.f32 v30, v23;
	v34 =	vbroadcast v7, $0xA;
	v27 =	vbroadcast v8, $0xA  }
0x144: {  	v28 =	vbroadcast v8, $0xB;
	v31 =	vadd.f32 v33, v31;
	v11 =	vadd.f32 v17, v11  }
0x145: {  	v29 =	vbroadcast v8, $0xC;
	v12 =	vadd.f32 v18, v12;
	v18 =	vadd.f32 v19, v10  }
0x146: {  	v30 =	vbroadcast v8, $0xE;
	v13 =	vadd.f32 v20, v13;
	v19 =	vadd.f32 v21, v14  }
0x147: {  	v20 =	vadd.f32 v23, v16;
	v33 =	vbroadcast v7, $0x9;
	v23 =	vbroadcast v9, $0x9  }
0x148: {  	v21 =	vbroadcast v9, $0xD;
	v63 =	vmul.f32 v43, v25;
	v10 =	vmin.f32 v32, v31  }
0x149: {  	v17 =	vmin.f32 v35, v11;
	v11 =	vadd.f32 v22, v15;
	v16 =	vmin.f32 v39, v12  }
0x14a: {  	v15 =	vmin.f32 v40, v18;
	v32 =	vbroadcast v7, $0x8;
	v35 =	vbroadcast v7, $0xB  }
0x14b: {  	v14 =	vmin.f32 v37, v13;
	v37 =	vbroadcast v7, $0xD;
	v40 =	vbroadcast v7, $0xF  }
0x14c: {  	v12 =	vmin.f32 v41, v11;
	v11 =	vmin.f32 v36, v20;
	v36 =	vbroadcast v7, $0xC;
	v7 =	vld [tilespmem:s6+$0x0]  }
0x14d: {  	v53 =	vmul.f32 v43, v26;
	v13 =	vmin.f32 v42, v19;
	v19 =	vbroadcast v9, $0xA  }
0x14e: {  	v22 =	vbroadcast v9, $0xB;
	v31 =	vbroadcast v8, $0xD  }
0x14f: {  	s30 =	simm.s32 $0x0;
	v18 =	vbroadcast v9, $0xE;
	v39 =	vbroadcast v8, $0xF;
	v41 =	vld [tilespmem:s6+$0x100]  }
0x150: {  	v8 =	vbroadcast v9, $0xF;
	v42 =	vld [tilespmem:s30+$0x4000];
	v20 =	vbroadcast v9, $0xC  }
0x151: {  	v58 =	vmul.f32 v43, v39;
	v55 =	vmul.f32 v7, v32  }
0x152: {  	v59 =	vmul.f32 v7, v40;
	v60 =	vmul.f32 v7, v33  }
0x153: {  	v56 =	vmul.f32 v7, v34;
	v57 =	vmul.f32 v7, v35  }
0x154: {  	v9 =	vimm.f32 $+Inf;
	v61 =	vmul.f32 v7, v37;
	v62 =	vmul.f32 v41, v8  }
0x155: {  	v45 =	vadd.f32 v42, v59;
	v44 =	vadd.f32 v42, v55;
	v59 =	vmul.f32 v7, v36  }
0x156: {  	v7 =	vmul.f32 v7, v38;
	v46 =	vadd.f32 v42, v60;
	v47 =	vadd.f32 v42, v56  }
0x157: {  	v48 =	vadd.f32 v42, v57;
	v60 =	vmul.f32 v43, v27;
	v57 =	vadd.f32 v42, v61  }
0x158: {  	v61 =	vmul.f32 v43, v28;
	v55 =	vmul.f32 v41, v24;
	v45 =	vadd.f32 v45, v58  }
0x159: {  	v56 =	vmul.f32 v41, v23;
	v50 =	vadd.f32 v42, v59;
	v42 =	vadd.f32 v42, v7  }
0x15a: {  	v54 =	vadd.f32 v44, v63;
	v63 =	vmul.f32 v43, v31;
	v53 =	vadd.f32 v46, v53  }
0x15b: {  	v49 =	vadd.f32 v47, v60;
	v51 =	vadd.f32 v48, v61;
	v44 =	vimm.f32 $+Inf  }
0x15c: {  	v45 =	vadd.f32 v45, v62;
	v62 =	vmul.f32 v43, v29;
	v43 =	vmul.f32 v43, v30  }
0x15d: {  	v46 =	vimm.f32 $+Inf;
	v47 =	vimm.f32 $+Inf;
	v52 =	vadd.f32 v57, v63  }
0x15e: {  	s31 =	simm.s32 $0x10;
	s6 =	simm.s32 $0x40;
	v7 =	vmin.f32 v9, v45;
	v48 =	vadd.f32 v50, v62;
	v50 =	vadd.f32 v42, v43  }
0x15f: {  	s8 =	sand.u32 $0x70, s31;
	s7 =	simm.s32 $0x20;
	s9 =	sand.u32 $0x1E00, s6;
	v45 =	vimm.f32 $+Inf;
	v42 =	vimm.f32 $+Inf;
	v43 =	vimm.f32 $+Inf  }
.LBB2_12:
0x160: {  	p0 =	sne.s32 s7, $0x7F0;
	s8 =	sor.u32 s8, s9;
	v54 =	vadd.f32 v54, v55;
	v55 =	vmul.f32 v41, v19;
	v57 =	vmul.f32 v41, v22  }
0x161: {  	s9 =	sshra.s32 s6, $0x2;
	v59 =	vmul.f32 v41, v21;
	v58 =	vld [tilespmem:s8+$0x0];
	v53 =	vadd.f32 v53, v56;
	v56 =	vmul.f32 v41, v20  }
0x162: {  	v41 =	vmul.f32 v41, v18;
	v60 =	vld [tilespmem:s9+$0x4000];
	v49 =	vadd.f32 v49, v55;
	v51 =	vadd.f32 v51, v57  }
0x163: {  	v9 =	vmin.f32 v9, v54;
	v52 =	vadd.f32 v52, v59;
	v55 =	vld [tilespmem:s8+$0x80];
	v48 =	vadd.f32 v48, v56  }
0x164: {  	v44 =	vmin.f32 v44, v53;
	v45 =	vmin.f32 v45, v49;
	v49 =	vadd.f32 v50, v41  }
0x165: {  	v42 =	vmin.f32 v42, v51;
	v47 =	vmin.f32 v47, v52;
	v41 =	vld [tilespmem:s8+$0x100];
	v46 =	vmin.f32 v46, v48  }
0x166: {  	v48 =	vmul.f32 v58, v32;
	v50 =	vmul.f32 v58, v40;
	v43 =	vmin.f32 v43, v49  }
0x167: {  	v49 =	vmul.f32 v58, v33;
	v51 =	vmul.f32 v58, v34  }
0x168: {  	v52 =	vmul.f32 v58, v35;
	v50 =	vadd.f32 v60, v50;
	v53 =	vmul.f32 v55, v39  }
0x169: {  	v54 =	vmul.f32 v58, v36;
	v56 =	vmul.f32 v58, v37;
	v48 =	vadd.f32 v60, v48  }
0x16a: {  	v57 =	vmul.f32 v58, v38;
	v50 =	vadd.f32 v50, v53;
	v53 =	vmul.f32 v41, v8  }
0x16b: {  	v58 =	vmul.f32 v55, v25;
	v49 =	vadd.f32 v60, v49;
	v51 =	vadd.f32 v60, v51  }
0x16c: {  	v59 =	vmul.f32 v55, v26;
	v52 =	vadd.f32 v60, v52;
	v50 =	vadd.f32 v50, v53  }
0x16d: {  	v61 =	vmul.f32 v55, v27;
	v62 =	vadd.f32 v60, v54;
	v63 =	vadd.f32 v60, v56  }
.Ltmp5:
0x16e: {  	v56 =	vmul.f32 v55, v28;
	v57 =	vadd.f32 v60, v57;
	v7 =	vmin.f32 v7, v50;
	(pc) =	sbr.rel @p0 .LBB2_12-.Ltmp5, $4  }
0x16f: {  	v54 =	vadd.f32 v48, v58;
	v48 =	vmul.f32 v55, v29;
	v50 =	vmul.f32 v55, v31  }
0x170: {  	v58 =	vmul.f32 v55, v30;
	v53 =	vadd.f32 v49, v59;
	v49 =	vadd.f32 v51, v61  }
0x171: {  	s6 =	sadd.s32 $0x40, s6;
	v51 =	vadd.f32 v52, v56;
	v48 =	vadd.f32 v62, v48;
	v55 =	vmul.f32 v41, v24  }
0x172: {  	s9 =	sand.u32 $0x1E00, s6;
	s8 =	sand.u32 $0x70, s7;
	s7 =	sadd.s32 $0x10, s7;
	v56 =	vmul.f32 v41, v23;
	v52 =	vadd.f32 v63, v50;
	v50 =	vadd.f32 v57, v58  }
0x173: {  	s7 =	sor.u32 s8, s9;
	v57 =	vmul.f32 v41, v19  }
0x174: {  	v54 =	vadd.f32 v54, v55;
	v55 =	vmul.f32 v41, v22;
	v59 =	vmul.f32 v41, v21;
	v58 =	vld [tilespmem:s7+$0x0]  }
0x175: {  	v62 =	vmul.f32 v41, v18;
	v61 =	vor.u32 $0x7, v1;
	v53 =	vadd.f32 v53, v56  }
0x176: {  	v56 =	vmul.f32 v41, v20;
	v63 =	vld [tilespmem:s7+$0x80];
	v49 =	vadd.f32 v49, v57;
	v51 =	vadd.f32 v51, v55  }
0x177: {  	s6 =	sshra.s32 s6, $0x2;
	v9 =	vmin.f32 v9, v54;
	v52 =	vadd.f32 v52, v59;
	v41 =	vadd.f32 v50, v62  }
0x178: {  	v60 =	vld [tilespmem:s6+$0x4000];
	v57 =	vor.u32 $0x3, v1;
	v48 =	vadd.f32 v48, v56;
	v44 =	vmin.f32 v44, v53  }
0x179: {  	v59 =	vor.u32 $0x5, v1;
	v56 =	vld [tilespmem:s7+$0x100];
	[tilespmem:v1+s4+$0x0] =	vst.idx.msk $0xffff, v17;
	v40 =	vmul.f32 v58, v40;
	v32 =	vmul.f32 v58, v32  }
0x17a: {  	v45 =	vmin.f32 v45, v49;
	v33 =	vmul.f32 v58, v33;
	v34 =	vmul.f32 v58, v34  }
0x17b: {  	v42 =	vmin.f32 v42, v51;
	v39 =	vmul.f32 v63, v39;
	v35 =	vmul.f32 v58, v35  }
0x17c: {  	v47 =	vmin.f32 v47, v52;
	v36 =	vmul.f32 v58, v36;
	v37 =	vmul.f32 v58, v37  }
0x17d: {  	v41 =	vmin.f32 v43, v41;
	v38 =	vmul.f32 v58, v38;
	v25 =	vmul.f32 v63, v25  }
0x17e: {  	v62 =	vor.u32 $0x8, v1;
	[tilespmem:v2+s4+$0x0] =	vst.idx.msk $0xffff, v16;
	v26 =	vmul.f32 v63, v26;
	v27 =	vmul.f32 v63, v27  }
0x17f: {  	v46 =	vmin.f32 v46, v48;
	v28 =	vmul.f32 v63, v28;
	v29 =	vmul.f32 v63, v29  }
0x180: {  	v31 =	vmul.f32 v63, v31;
	v40 =	vadd.f32 v60, v40;
	v32 =	vadd.f32 v60, v32  }
0x181: {  	[tilespmem:v3+s4+$0x0] =	vst.idx.msk $0xffff, v15;
	v58 =	vor.u32 $0x4, v1;
	v33 =	vadd.f32 v60, v33;
	v34 =	vadd.f32 v60, v34  }
0x182: {  	v30 =	vmul.f32 v63, v30;
	v35 =	vadd.f32 v60, v35;
	v36 =	vadd.f32 v60, v36  }
0x183: {  	v8 =	vmul.f32 v56, v8;
	v37 =	vadd.f32 v60, v37;
	v38 =	vadd.f32 v60, v38  }
0x184: {  	v24 =	vmul.f32 v56, v24;
	v39 =	vadd.f32 v40, v39;
	v25 =	vadd.f32 v32, v25  }
0x185: {  	[tilespmem:v57+s4+$0x0] =	vst.idx.msk $0xffff, v14;
	v60 =	vor.u32 $0x6, v1;
	v26 =	vadd.f32 v33, v26;
	v27 =	vadd.f32 v34, v27  }
0x186: {  	v23 =	vmul.f32 v56, v23;
	v28 =	vadd.f32 v35, v28;
	v29 =	vadd.f32 v36, v29  }
0x187: {  	v63 =	vmul.f32 v56, v19;
	v31 =	vadd.f32 v37, v31;
	v30 =	vadd.f32 v38, v30  }
0x188: {  	v32 =	vor.u32 $0x9, v1;
	v33 =	vmul.f32 v56, v20;
	v35 =	vmul.f32 v56, v21;
	[tilespmem:v58+s4+$0x0] =	vst.idx.msk $0xffff, v13  }
0x189: {  	v34 =	vor.u32 $0xA, v1;
	v40 =	vmul.f32 v56, v18;
	v24 =	vadd.f32 v25, v24;
	[tilespmem:v59+s4+$0x0] =	vst.idx.msk $0xffff, v12  }
0x18a: {  	v36 =	vor.u32 $0xB, v1;
	v25 =	vmul.f32 v56, v22;
	v23 =	vadd.f32 v26, v23;
	[tilespmem:v60+s4+$0x0] =	vst.idx.msk $0xffff, v11  }
0x18b: {  	v38 =	vor.u32 $0xC, v1;
	v19 =	vadd.f32 v27, v63;
	v9 =	vmin.f32 v9, v24;
	[tilespmem:v61+s4+$0x0] =	vst.idx.msk $0xffff, v10  }
0x18c: {  	v37 =	vadd.f32 v28, v25;
	v43 =	vmin.f32 v44, v23;
	v44 =	vor.u32 $0xD, v1;
	[tilespmem:v62+s4+$0x0] =	vst.idx.msk $0xffff, v9  }
0x18d: {  	v49 =	vor.u32 $0xE, v1;
	v48 =	vadd.f32 v29, v33;
	v19 =	vmin.f32 v45, v19;
	[tilespmem:v32+s4+$0x0] =	vst.idx.msk $0xffff, v43  }
0x18e: {  	v50 =	vor.u32 $0xF, v1;
	v17 =	vadd.f32 v31, v35;
	v16 =	vmin.f32 v42, v37;
	[tilespmem:v34+s4+$0x0] =	vst.idx.msk $0xffff, v19  }
0x18f: {  	v15 =	vadd.f32 v30, v40;
	v14 =	vmin.f32 v46, v48;
	[tilespmem:v36+s4+$0x0] =	vst.idx.msk $0xffff, v16  }
0x190: {  	v8 =	vadd.f32 v39, v8;
	v51 =	vmin.f32 v47, v17;
	[tilespmem:v38+s4+$0x0] =	vst.idx.msk $0xffff, v14  }
0x191: {  	v52 =	vmin.f32 v41, v15;
	[tilespmem:v44+s4+$0x0] =	vst.idx.msk $0xffff, v51  }
0x192: {  	v7 =	vmin.f32 v7, v8;
	[tilespmem:v49+s4+$0x0] =	vst.idx.msk $0xffff, v52  }
0x193: {  	[tilespmem:v50+s4+$0x0] =	vst.idx.msk $0xffff, v7  }
0x194: {  	v7 =	vld [tilespmem:$0x5080]  }
0x195: {  	v53 =	vld [tilespmem:$0x5090]  }
0x196: {  	v9 =	vld [tilespmem:$0x50A0]  }
0x197: {  	v10 =	vld [tilespmem:$0x50B0]  }
0x198: {  	v11 =	vld [tilespmem:$0x50C0]  }
0x199: {  	v12 =	vld [tilespmem:$0x50D0]  }
0x19a: {  	v54 =	vld [tilespmem:$0x50E0];
	v7 =	vmin.f32 v7, v53  }
0x19b: {  	v55 =	vld [tilespmem:$0x50F0];
	v7 =	vmin.f32 v7, v9  }
0x19c: {  	v56 =	vld [tilespmem:$0x5100];
	v7 =	vmin.f32 v7, v10  }
0x19d: {  	v57 =	vld [tilespmem:$0x5110];
	v7 =	vmin.f32 v7, v11  }
0x19e: {  	v58 =	vld [tilespmem:$0x5120];
	v7 =	vmin.f32 v7, v12  }
0x19f: {  	v59 =	vld [tilespmem:$0x5130];
	v7 =	vmin.f32 v7, v54  }
0x1a0: {  	v60 =	vld [tilespmem:$0x5140];
	v7 =	vmin.f32 v7, v55  }
0x1a1: {  	v61 =	vld [tilespmem:$0x5150];
	v7 =	vmin.f32 v7, v56  }
0x1a2: {  	v62 =	vld [tilespmem:$0x5160];
	v7 =	vmin.f32 v7, v57  }
0x1a3: {  	v63 =	vld [tilespmem:$0x5170];
	v7 =	vmin.f32 v7, v58  }
0x1a4: {  	v7 =	vmin.f32 v7, v59  }
0x1a5: {  	v7 =	vmin.f32 v7, v60  }
0x1a6: {  	s5 =	sadd.s32 $0x1, s5;
	v7 =	vmin.f32 v7, v61  }
0x1a7: {  	p0 =	sne.s32 s5, $0x8;
	v7 =	vmin.f32 v7, v62  }
.Ltmp6:
0x1a8: {  	v7 =	vmin.f32 v7, v63;
	(pc) =	sbr.rel @p0 .LBB2_9-.Ltmp6, $3  }
0x1a9: {  	v6 =	vadd.f32 v7, v6;
	_ =	sdelay $0x1  }
0x1aa: {  	v6 =	vmax.f32 v6, $0.0e+00  }
0x1ab: {  	v0 =	vadd.f32 v6, v0  }
0x1ac: {  	s3 =	sshll.u32 s1, $0x4;
	s30 =	simm.s32 $0x0  }
0x1ad: {  	s4 =	simm.s32 $0x5000;
	s31 =	simm.s32 $0x1;
	s2 =	sadd.s32 s2, s3;
	[tilespmem:$0x5000] =	vst v0  }
0x1ae: {  	[hbm4b:s2+s30] =	stream.linear.scatter [tilespmem:s4], [sflag:$0x1], $0x80, $0x38;
	[tilespmem:$0x5180] =	vst v63  }
0x1af: {  	_ =	swait.ge [sflag:s31], $0x80  }
0x1b0: {  	[sflag:s31] =	ssyncset.done $0x0  }
0x1b1: {  	[sflag:s31] =	ssyncadd.s32 $0xFFFFFF80  }
0x1b2: {  	_ =	sfence.sel $0x180000  }
0x1b3: {  	[bflag:$0x0] =	sbarrier.arrive $0xFFFF  }
0x1b4: {  	p0 =	sne.s32 s1, $0x0;
	_ =	strace $0x90000047  }
0x1b5: {  	s0 =	sadd.s32 @!p0 $0x100000, s0;
	[bflag:$0x2] =	sbarrier.arrive $0xFFFF  }
0x1b6: {  	[sflag:s0] =	ssyncadd.tile.s32 @!p0 $0x1;
	_ =	shalt  }
.Lfunc_end2:
_tile_overlayer_lowered:
.L_overlay_start_2:
0x1b7: {  	(tag) =	ssettag $0x2  }
0x1b8: {  	s0 =	rddreg [dreg:$0x0];
	s2 =	stileid.u32  }
0x1b9: {  	s1 =	rddreg [dreg:$0x1];
	p0 =	sne.s32 s2, $0x0  }
0x1ba: {  	s3 =	rddreg [dreg:$0x2];
	[bflag:$0x3] =	sbarrier.arrive $0xFFFF;
	s2 =	simm.s32 @!p0 $0x1C01  }
0x1bb: {  	[timem:s3], [sflag:s2] =	dma.local @!p0 [hbm:s0], s1  }
0x1bc: {  	s0 =	simm.s32 @!p0 $0x1  }
0x1bd: {  	_ =	swait.ge @!p0 [sflag:s0], s1  }
0x1be: {  	s1 =	ssub.s32 @!p0 $0x0, s1;
	[sflag:s0] =	ssyncset.done @!p0 $0x0  }
0x1bf: {  	[sflag:s0] =	ssyncadd.s32 @!p0 s1  }
0x1c0: {  	[bflag:$0x3] =	sbarrier.arrive $0xFFFF  }
0x1c1: {  	_ =	shalt  }

</sc_bundles>
